<compile_context>
chip_gen: v7x
topology: tpu7x:2x2x1
jax: 0.10.2.dev20260603
libtpu: 0.0.44.dev20260713+nightly
codegen_flags: <defaults>
</compile_context>

<pallas_src>
import jax
import jax.numpy as jnp
from jax import lax
from jax.experimental import pallas as pl
from jax.experimental.pallas import tpu as pltpu
from jax.experimental.pallas import tpu_sc as plsc

_R = 512
_C = 1024

_NC = 2
_NS = 16
_NW = _NC * _NS
_CHUNK = 32768
_SC_ELEMS = 16 * 1024 * 1024


def _minmax_body(a_ref, out_ref):
    i = pl.program_id(0)
    a = a_ref[...]
    amin, amax = jnp.min(a), jnp.max(a)

    @pl.when(i == 0)
    def _init():
        out_ref[0] = amin
        out_ref[1] = amax

    @pl.when(i != 0)
    def _acc():
        out_ref[0] = jnp.minimum(out_ref[0], amin)
        out_ref[1] = jnp.maximum(out_ref[1], amax)


def _tc_hist_body(ed_ref, x_ref, out_ref, acc_ref):
    i = pl.program_id(0)

    @pl.when(i == 0)
    def _init():
        for j in range(9):
            acc_ref[j] = 0.0

    x = x_ref[...]
    for j in range(9):
        acc_ref[j] += jnp.sum((x >= ed_ref[j]).astype(jnp.float32))

    @pl.when(i == pl.num_programs(0) - 1)
    def _fin():
        for j in range(9):
            out_ref[j] = acc_ref[j]
        for j in range(9, 16):
            out_ref[j] = 0.0


def _sc_minmax2_body(a_hbm, b_hbm, out_hbm, buf0, buf1, stage_v, sem0, sem1):
    c = lax.axis_index("c")
    s = lax.axis_index("s")
    wid = s * _NC + c

    def _reduce_one(x_hbm, row):
        perw = x_hbm.shape[0] // _NW
        base = wid * perw
        npairs = perw // (2 * _CHUNK)

        def _dma_start(ci, buf, sem):
            pltpu.async_copy(
                x_hbm.at[pl.ds(base + ci * _CHUNK, _CHUNK)], buf, sem)

        def _dma_wait(buf, sem):
            pltpu.make_async_copy(
                x_hbm.at[pl.ds(base, _CHUNK)], buf, sem).wait()

        def _process(buf, mm):
            @plsc.parallel_loop(0, _CHUNK // 16, 1, unroll=8, carry=mm)
            def _it(i, mm):
                v = buf[pl.ds(i * 16, 16)]
                return jnp.minimum(mm[0], v), jnp.maximum(mm[1], v)
            return _it

        _dma_start(0, buf0, sem0)
        v0 = jnp.full((16,), jnp.inf, jnp.float32)
        v1 = jnp.full((16,), -jnp.inf, jnp.float32)

        def _pair(p, mm):
            c0 = p * 2
            _dma_start(c0 + 1, buf1, sem1)
            _dma_wait(buf0, sem0)
            mm = _process(buf0, mm)

            @pl.when(p < npairs - 1)
            def _():
                _dma_start(c0 + 2, buf0, sem0)

            _dma_wait(buf1, sem1)
            mm = _process(buf1, mm)
            return mm

        vmin, vmax = lax.fori_loop(0, npairs, _pair, (v0, v1))
        stage_v[row] = vmin
        stage_v[row + 1] = vmax

    _reduce_one(a_hbm, 0)
    _reduce_one(b_hbm, 2)
    pltpu.sync_copy(stage_v, out_hbm.at[wid])


_sc_minmax2 = pl.kernel(
    _sc_minmax2_body,
    out_type=jax.ShapeDtypeStruct((_NW, 4, 16), jnp.float32),
    mesh=plsc.VectorSubcoreMesh(
        core_axis_name="c", subcore_axis_name="s",
        num_cores=_NC, num_subcores=_NS),
    compiler_params=pltpu.CompilerParams(needs_layout_passes=False),
    scratch_types=[
        pltpu.VMEM((_CHUNK,), jnp.float32),
        pltpu.VMEM((_CHUNK,), jnp.float32),
        pltpu.VMEM((4, 16), jnp.float32),
        pltpu.SemaphoreType.DMA,
        pltpu.SemaphoreType.DMA,
    ],
)


def _sc_hist_body(x_hbm, par_hbm, etab_hbm, out_hbm,
                  buf0, buf1, par_v, elo_v, ehi_v, tbl_v, sem0, sem1):
    c = lax.axis_index("c")
    s = lax.axis_index("s")
    wid = s * _NC + c
    perw = _SC_ELEMS // _NW
    base = wid * perw
    npairs = perw // (2 * _CHUNK)

    pltpu.sync_copy(par_hbm, par_v)
    pltpu.sync_copy(etab_hbm.at[0], elo_v)
    pltpu.sync_copy(etab_hbm.at[1], ehi_v)
    for j in range(16):
        tbl_v[j] = jnp.zeros((16,), jnp.float32)

    lo_v = par_v[0]
    scale_v = par_v[1]
    bias_v = par_v[2]
    lane = lax.iota(jnp.int32, 16)
    one_i = jnp.full((16,), 1, jnp.int32)
    zero_i = jnp.full((16,), 0, jnp.int32)
    ones_f = jnp.ones((16,), jnp.float32)

    def _dma_start(ci, buf, sem):
        pltpu.async_copy(x_hbm.at[pl.ds(base + ci * _CHUNK, _CHUNK)], buf, sem)

    def _dma_wait(buf, sem):
        pltpu.make_async_copy(x_hbm.at[pl.ds(base, _CHUNK)], buf, sem).wait()

    def _process(buf):
        @plsc.parallel_loop(0, _CHUNK // 16, 1, unroll=8)
        def _it(i):
            v = buf[pl.ds(i * 16, 16)]
            t = (v - lo_v) * scale_v + bias_v
            i0 = t.astype(jnp.int32)
            e_hi = plsc.load_gather(ehi_v, [i0])
            e_lo = plsc.load_gather(elo_v, [i0])
            cc = (i0 + jnp.where(v >= e_hi, one_i, zero_i)
                  - jnp.where(v < e_lo, one_i, zero_i))
            plsc.addupdate_scatter(tbl_v, [cc, lane], ones_f)

    _dma_start(0, buf0, sem0)

    def _pair(p, carry):
        c0 = p * 2
        _dma_start(c0 + 1, buf1, sem1)
        _dma_wait(buf0, sem0)
        _process(buf0)

        @pl.when(p < npairs - 1)
        def _():
            _dma_start(c0 + 2, buf0, sem0)

        _dma_wait(buf1, sem1)
        _process(buf1)
        return carry

    lax.fori_loop(0, npairs, _pair, 0)
    pltpu.sync_copy(tbl_v, out_hbm.at[wid])


_sc_hist = pl.kernel(
    _sc_hist_body,
    out_type=jax.ShapeDtypeStruct((_NW, 16, 16), jnp.float32),
    mesh=plsc.VectorSubcoreMesh(
        core_axis_name="c", subcore_axis_name="s",
        num_cores=_NC, num_subcores=_NS),
    compiler_params=pltpu.CompilerParams(needs_layout_passes=False),
    scratch_types=[
        pltpu.VMEM((_CHUNK,), jnp.float32),
        pltpu.VMEM((_CHUNK,), jnp.float32),
        pltpu.VMEM((4, 16), jnp.float32),
        pltpu.VMEM((16,), jnp.float32),
        pltpu.VMEM((16,), jnp.float32),
        pltpu.VMEM((16, 16), jnp.float32),
        pltpu.SemaphoreType.DMA,
        pltpu.SemaphoreType.DMA,
    ],
)


def _sc_histogram(x, lo, hi):
    degen = hi <= lo
    edges = jnp.linspace(lo, hi, 11)
    scale = jnp.where(degen, jnp.float32(0.0), jnp.float32(10.0) / (hi - lo))
    bias = jnp.where(degen, jnp.float32(9.0), jnp.float32(0.0))
    inf6 = jnp.full((6,), jnp.inf, jnp.float32)
    etab_lo = jnp.concatenate([edges[:10], inf6])
    etab_hi = jnp.concatenate([edges[1:10], jnp.full((7,), jnp.inf,
                                                     jnp.float32)])
    degen_lo = jnp.full((16,), -jnp.inf, jnp.float32)
    degen_hi = jnp.full((16,), jnp.inf, jnp.float32)
    etab = jnp.stack([
        jnp.where(degen, degen_lo, etab_lo),
        jnp.where(degen, degen_hi, etab_hi),
    ])
    params = jnp.stack([
        jnp.full((16,), lo, jnp.float32),
        jnp.full((16,), scale, jnp.float32),
        jnp.full((16,), bias, jnp.float32),
        jnp.zeros((16,), jnp.float32),
    ])
    parts = _sc_hist(x, params, etab)
    return parts.sum(axis=(0, 2))[:10]


def kernel(opt_tensor, tensor):
    n = opt_tensor.shape[0]
    a2 = opt_tensor.reshape(n // _C, _C)
    nb = n // (_R * _C)

    mm = _sc_minmax2(opt_tensor, tensor)
    omin = jnp.min(mm[:, 0, :])
    omax = jnp.max(mm[:, 1, :])
    tmin = jnp.min(mm[:, 2, :])
    tmax = jnp.max(mm[:, 3, :])

    edges_o = jnp.linspace(omin, omax, 11)

    d = pl.pallas_call(
        _tc_hist_body,
        grid=(nb,),
        in_specs=[
            pl.BlockSpec(memory_space=pltpu.SMEM),
            pl.BlockSpec((_R, _C), lambda i: (i, 0)),
        ],
        out_specs=pl.BlockSpec(memory_space=pltpu.SMEM),
        out_shape=jax.ShapeDtypeStruct((16,), jnp.float32),
        scratch_shapes=[pltpu.SMEM((16,), jnp.float32)],
    )(edges_o[1:10], a2)

    nf = jnp.float32(n)
    counts_o = jnp.concatenate(
        [nf - d[:1], d[:8] - d[1:9], d[8:9]])
    counts_t = _sc_histogram(tensor, tmin, tmax)
    return jnp.mean((counts_o - counts_t) ** 2)

# --- scband reference (transcript-rebuilt; emitter-appended) ---
"""Pipeline reference for scband-histogram-guide-86036784873850 (READ-ONLY COPY).

The authoritative reference and input builder live on the scoring server;
editing this copy changes nothing except your own understanding.
"""

import jax, jax.numpy as jnp
import numpy as np

N = 16777216


def _histogram10(x):
    # torch.histogram(x, 10): 10 equal-width bins spanning [min(x), max(x)],
    # right edge of last bin inclusive.
    lo = jnp.min(x)
    hi = jnp.max(x)
    edges = jnp.linspace(lo, hi, 11)
    idx = jnp.searchsorted(edges, x, side='right') - 1
    idx = jnp.clip(idx, 0, 9)  # puts x == max into the last bin
    idx = jax.lax.stop_gradient(idx)
    counts = jnp.zeros((10,), dtype=x.dtype).at[idx].add(jnp.float32(1.0))
    return counts


def setup_inputs(seed: int = 0) -> dict:
    key = jax.random.key(seed)
    k1, k2 = jax.random.split(key)
    opt_tensor = jax.random.normal(k1, (N,), dtype=jnp.float32)
    # constructor `tensor` arg: source of the target histogram (prepare())
    tensor = jax.random.normal(k2, (N,), dtype=jnp.float32) * 1.5 + 0.3
    return {"opt_tensor": opt_tensor, "tensor": tensor}


def reference(opt_tensor, tensor):
    weight = jnp.float32(1.0)
    # prepare(): target = torch.histogram(self.tensor, 10).hist
    target_hist = _histogram10(tensor)
    # forward(): opt_hist = torch.histogram(opt_tensor, 10).hist
    opt_hist = _histogram10(opt_tensor)
    # loss(): weighted MSE between opt histogram and target histogram
    loss = weight * jnp.mean((opt_hist - target_hist) ** 2)
    return loss

if __name__ == "__main__":
    import jax
    _d = setup_inputs()
    print(jax.jit(kernel)(*tuple(_d.values())))

</pallas_src>

<mosaic_0001>
#map = affine_map<(d0, d1) -> (0)>
#map1 = affine_map<(d0, d1) -> (0, 0, 0)>
module attributes {stable_mosaic.version = 14 : i64} {
  func.func @_sc_minmax2_body(%arg0: i32, %arg1: i32, %arg2: memref<16777216xf32, #tpu.memory_space<hbm>>, %arg3: memref<16777216xf32, #tpu.memory_space<hbm>>, %arg4: memref<32x4x16xf32, #tpu.memory_space<hbm>>, %arg5: memref<32768xf32, #tpu.memory_space<vmem>>, %arg6: memref<32768xf32, #tpu.memory_space<vmem>>, %arg7: memref<4x16xf32, #tpu.memory_space<vmem>>, %arg8: memref<!tpu.dma_semaphore, #tpu.memory_space<semaphore_mem>>, %arg9: memref<!tpu.dma_semaphore, #tpu.memory_space<semaphore_mem>>) attributes {dimension_semantics = [#tpu.dimension_semantics<core_parallel>, #tpu.dimension_semantics<subcore_parallel>], iteration_bounds = array<i64: 2, 16>, scalar_prefetch = 0 : i64, scratch_operands = 5 : i64, tpu.core_type = #tpu.core_type<sc_vector_subcore>, window_params = [{transform_indices = #map}, {transform_indices = #map}, {transform_indices = #map1}]} {
    %mul3A = arith.constant 2 : i32
    %mul3A_0 = arith.muli %arg1, %mul3A : i32
    %add3A = arith.addi %mul3A_0, %arg0 : i32
    %mul3A_1 = arith.constant 524288 : i32
    %mul3A_2 = arith.muli %add3A, %mul3A_1 : i32
    %add3A_3 = arith.constant 0 : i32
    %add3A_4 = arith.addi %mul3A_2, %add3A_3 : i32
    %dma_start3A = tpu.memref_slice %arg2[%add3A_4] : memref<16777216xf32, #tpu.memory_space<hbm>> -> memref<32768xf32, #tpu.memory_space<hbm>>
    %dma_start3A_5 = tpu.memref_slice %arg2[%add3A_4] : memref<16777216xf32, #tpu.memory_space<hbm>> -> memref<32768xf32, #tpu.memory_space<hbm>>
    tpu.enqueue_dma source(%dma_start3A_5 : memref<32768xf32, #tpu.memory_space<hbm>>) target(%arg5 : memref<32768xf32, #tpu.memory_space<vmem>>) target_semaphore(%arg8 : memref<!tpu.dma_semaphore, #tpu.memory_space<semaphore_mem>>)
    %broadcast_in_dim3A = arith.constant 0x7F800000 : f32
    %broadcast_in_dim3A_6 = vector.broadcast %broadcast_in_dim3A : f32 to vector<16xf32>
    %broadcast_in_dim3A_7 = arith.constant 0xFF800000 : f32
    %broadcast_in_dim3A_8 = vector.broadcast %broadcast_in_dim3A_7 : f32 to vector<16xf32>
    %scan3A = arith.constant 0 : i32
    %scan3A_9 = arith.constant 8 : i32
    %scan3A_10 = arith.addi %scan3A, %scan3A_9 : i32
    %scan3A_11 = arith.constant 1 : i32
    %scan3A_12:2 = scf.for %scan3A_45 = %scan3A to %scan3A_10 step %scan3A_11 iter_args(%scan3A_46 = %broadcast_in_dim3A_6, %scan3A_47 = %broadcast_in_dim3A_8) -> (vector<16xf32>, vector<16xf32>)  : i32 {
      %mul3A_48 = arith.constant 2 : i32
      %mul3A_49 = arith.muli %scan3A_45, %mul3A_48 : i32
      %add3A_50 = arith.constant 1 : i32
      %add3A_51 = arith.addi %mul3A_49, %add3A_50 : i32
      %mul3A_52 = arith.constant 32768 : i32
      %mul3A_53 = arith.muli %add3A_51, %mul3A_52 : i32
      %add3A_54 = arith.addi %mul3A_2, %mul3A_53 : i32
      %dma_start3A_55 = tpu.memref_slice %arg2[%add3A_54] : memref<16777216xf32, #tpu.memory_space<hbm>> -> memref<32768xf32, #tpu.memory_space<hbm>>
      %dma_start3A_56 = tpu.memref_slice %arg2[%add3A_54] : memref<16777216xf32, #tpu.memory_space<hbm>> -> memref<32768xf32, #tpu.memory_space<hbm>>
      tpu.enqueue_dma source(%dma_start3A_56 : memref<32768xf32, #tpu.memory_space<hbm>>) target(%arg6 : memref<32768xf32, #tpu.memory_space<vmem>>) target_semaphore(%arg9 : memref<!tpu.dma_semaphore, #tpu.memory_space<semaphore_mem>>)
      %dma_wait3A = tpu.memref_slice %arg2[%mul3A_2] : memref<16777216xf32, #tpu.memory_space<hbm>> -> memref<32768xf32, #tpu.memory_space<hbm>>
      %dma_wait3A_57 = tpu.memref_slice %arg2[%mul3A_2] : memref<16777216xf32, #tpu.memory_space<hbm>> -> memref<32768xf32, #tpu.memory_space<hbm>>
      tpu.wait_dma2 semaphore(%arg8 : memref<!tpu.dma_semaphore, #tpu.memory_space<semaphore_mem>>) src(%dma_wait3A_57 : memref<32768xf32, #tpu.memory_space<hbm>>) dst(%arg5 : memref<32768xf32, #tpu.memory_space<vmem>>)
      %parallel_loop3A = arith.constant 0 : i32
      %parallel_loop3A_58 = arith.constant 2048 : i32
      %parallel_loop3A_59 = arith.constant 1 : i32
      %parallel_loop3A_60:2 = scf.for %parallel_loop3A_69 = %parallel_loop3A to %parallel_loop3A_58 step %parallel_loop3A_59 iter_args(%parallel_loop3A_70 = %scan3A_46, %parallel_loop3A_71 = %scan3A_47) -> (vector<16xf32>, vector<16xf32>)  : i32 {
        %parallel_loop3A_72 = arith.constant 16 : i32
        %parallel_loop3A_73 = arith.muli %parallel_loop3A_69, %parallel_loop3A_72 : i32
        %parallel_loop3A_74 = arith.index_cast %parallel_loop3A_73 : i32 to index
        %parallel_loop3A_75 = tpu.vector_load %arg5[%parallel_loop3A_74] {strides = array<i32>} : memref<32768xf32, #tpu.memory_space<vmem>>, vector<16xf32>,
        %parallel_loop3A_76 = arith.minimumf %parallel_loop3A_70, %parallel_loop3A_75 : vector<16xf32>
        %parallel_loop3A_77 = arith.maximumf %parallel_loop3A_71, %parallel_loop3A_75 : vector<16xf32>
        scf.yield %parallel_loop3A_76, %parallel_loop3A_77 : vector<16xf32>, vector<16xf32>
      } {sc.loop_unroll_factor = 8 : i64, sc.parallel_access}
      %lt3A = arith.constant 7 : i32
      %lt3A_61 = arith.cmpi slt, %scan3A_45, %lt3A : i32
      %convert_element_type3A = arith.extui %lt3A_61 : i1 to i32
      %cond3A = arith.constant 0 : i32
      %cond3A_62 = arith.cmpi ne, %convert_element_type3A, %cond3A : i32
      scf.if %cond3A_62 {
        %add3A_69 = arith.constant 2 : i32
        %add3A_70 = arith.addi %mul3A_49, %add3A_69 : i32
        %mul3A_71 = arith.constant 32768 : i32
        %mul3A_72 = arith.muli %add3A_70, %mul3A_71 : i32
        %add3A_73 = arith.addi %mul3A_2, %mul3A_72 : i32
        %dma_start3A_74 = tpu.memref_slice %arg2[%add3A_73] : memref<16777216xf32, #tpu.memory_space<hbm>> -> memref<32768xf32, #tpu.memory_space<hbm>>
        %dma_start3A_75 = tpu.memref_slice %arg2[%add3A_73] : memref<16777216xf32, #tpu.memory_space<hbm>> -> memref<32768xf32, #tpu.memory_space<hbm>>
        tpu.enqueue_dma source(%dma_start3A_75 : memref<32768xf32, #tpu.memory_space<hbm>>) target(%arg5 : memref<32768xf32, #tpu.memory_space<vmem>>) target_semaphore(%arg8 : memref<!tpu.dma_semaphore, #tpu.memory_space<semaphore_mem>>)
      } else {
      }
      %dma_wait3A_63 = tpu.memref_slice %arg2[%mul3A_2] : memref<16777216xf32, #tpu.memory_space<hbm>> -> memref<32768xf32, #tpu.memory_space<hbm>>
      %dma_wait3A_64 = tpu.memref_slice %arg2[%mul3A_2] : memref<16777216xf32, #tpu.memory_space<hbm>> -> memref<32768xf32, #tpu.memory_space<hbm>>
      tpu.wait_dma2 semaphore(%arg9 : memref<!tpu.dma_semaphore, #tpu.memory_space<semaphore_mem>>) src(%dma_wait3A_64 : memref<32768xf32, #tpu.memory_space<hbm>>) dst(%arg6 : memref<32768xf32, #tpu.memory_space<vmem>>)
      %parallel_loop3A_65 = arith.constant 0 : i32
      %parallel_loop3A_66 = arith.constant 2048 : i32
      %parallel_loop3A_67 = arith.constant 1 : i32
      %parallel_loop3A_68:2 = scf.for %parallel_loop3A_69 = %parallel_loop3A_65 to %parallel_loop3A_66 step %parallel_loop3A_67 iter_args(%parallel_loop3A_70 = %parallel_loop3A_60#0, %parallel_loop3A_71 = %parallel_loop3A_60#1) -> (vector<16xf32>, vector<16xf32>)  : i32 {
        %parallel_loop3A_72 = arith.constant 16 : i32
        %parallel_loop3A_73 = arith.muli %parallel_loop3A_69, %parallel_loop3A_72 : i32
        %parallel_loop3A_74 = arith.index_cast %parallel_loop3A_73 : i32 to index
        %parallel_loop3A_75 = tpu.vector_load %arg6[%parallel_loop3A_74] {strides = array<i32>} : memref<32768xf32, #tpu.memory_space<vmem>>, vector<16xf32>,
        %parallel_loop3A_76 = arith.minimumf %parallel_loop3A_70, %parallel_loop3A_75 : vector<16xf32>
        %parallel_loop3A_77 = arith.maximumf %parallel_loop3A_71, %parallel_loop3A_75 : vector<16xf32>
        scf.yield %parallel_loop3A_76, %parallel_loop3A_77 : vector<16xf32>, vector<16xf32>
      } {sc.loop_unroll_factor = 8 : i64, sc.parallel_access}
      scf.yield %parallel_loop3A_68#0, %parallel_loop3A_68#1 : vector<16xf32>, vector<16xf32>
    }
    %scan3A_13 = arith.constant 8 : i32
    %swap3A = arith.constant 0 : i32
    %swap3A_14 = arith.index_cast %swap3A : i32 to index
    %swap3A_15 = arith.constant 0 : index
    %swap3A_16 = tpu.vector_load %arg7[%swap3A_14, %swap3A_15] {strides = array<i32>} : memref<4x16xf32, #tpu.memory_space<vmem>>, vector<16xf32>,
    tpu.vector_store %arg7[%swap3A_14, %swap3A_15], %scan3A_12#0 {strides = array<i32>} : memref<4x16xf32, #tpu.memory_space<vmem>>, vector<16xf32>,
    %swap3A_17 = arith.constant 1 : i32
    %swap3A_18 = arith.index_cast %swap3A_17 : i32 to index
    %swap3A_19 = arith.constant 0 : index
    %swap3A_20 = tpu.vector_load %arg7[%swap3A_18, %swap3A_19] {strides = array<i32>} : memref<4x16xf32, #tpu.memory_space<vmem>>, vector<16xf32>,
    tpu.vector_store %arg7[%swap3A_18, %swap3A_19], %scan3A_12#1 {strides = array<i32>} : memref<4x16xf32, #tpu.memory_space<vmem>>, vector<16xf32>,
    %mul3A_21 = arith.constant 524288 : i32
    %mul3A_22 = arith.muli %add3A, %mul3A_21 : i32
    %add3A_23 = arith.constant 0 : i32
    %add3A_24 = arith.addi %mul3A_22, %add3A_23 : i32
    %dma_start3A_25 = tpu.memref_slice %arg3[%add3A_24] : memref<16777216xf32, #tpu.memory_space<hbm>> -> memref<32768xf32, #tpu.memory_space<hbm>>
    %dma_start3A_26 = tpu.memref_slice %arg3[%add3A_24] : memref<16777216xf32, #tpu.memory_space<hbm>> -> memref<32768xf32, #tpu.memory_space<hbm>>
    tpu.enqueue_dma source(%dma_start3A_26 : memref<32768xf32, #tpu.memory_space<hbm>>) target(%arg5 : memref<32768xf32, #tpu.memory_space<vmem>>) target_semaphore(%arg8 : memref<!tpu.dma_semaphore, #tpu.memory_space<semaphore_mem>>)
    %broadcast_in_dim3A_27 = arith.constant 0x7F800000 : f32
    %broadcast_in_dim3A_28 = vector.broadcast %broadcast_in_dim3A_27 : f32 to vector<16xf32>
    %broadcast_in_dim3A_29 = arith.constant 0xFF800000 : f32
    %broadcast_in_dim3A_30 = vector.broadcast %broadcast_in_dim3A_29 : f32 to vector<16xf32>
    %scan3A_31 = arith.constant 0 : i32
    %scan3A_32 = arith.constant 8 : i32
    %scan3A_33 = arith.addi %scan3A_31, %scan3A_32 : i32
    %scan3A_34 = arith.constant 1 : i32
    %scan3A_35:2 = scf.for %scan3A_45 = %scan3A_31 to %scan3A_33 step %scan3A_34 iter_args(%scan3A_46 = %broadcast_in_dim3A_28, %scan3A_47 = %broadcast_in_dim3A_30) -> (vector<16xf32>, vector<16xf32>)  : i32 {
      %mul3A_48 = arith.constant 2 : i32
      %mul3A_49 = arith.muli %scan3A_45, %mul3A_48 : i32
      %add3A_50 = arith.constant 1 : i32
      %add3A_51 = arith.addi %mul3A_49, %add3A_50 : i32
      %mul3A_52 = arith.constant 32768 : i32
      %mul3A_53 = arith.muli %add3A_51, %mul3A_52 : i32
      %add3A_54 = arith.addi %mul3A_22, %mul3A_53 : i32
      %dma_start3A_55 = tpu.memref_slice %arg3[%add3A_54] : memref<16777216xf32, #tpu.memory_space<hbm>> -> memref<32768xf32, #tpu.memory_space<hbm>>
      %dma_start3A_56 = tpu.memref_slice %arg3[%add3A_54] : memref<16777216xf32, #tpu.memory_space<hbm>> -> memref<32768xf32, #tpu.memory_space<hbm>>
      tpu.enqueue_dma source(%dma_start3A_56 : memref<32768xf32, #tpu.memory_space<hbm>>) target(%arg6 : memref<32768xf32, #tpu.memory_space<vmem>>) target_semaphore(%arg9 : memref<!tpu.dma_semaphore, #tpu.memory_space<semaphore_mem>>)
      %dma_wait3A = tpu.memref_slice %arg3[%mul3A_22] : memref<16777216xf32, #tpu.memory_space<hbm>> -> memref<32768xf32, #tpu.memory_space<hbm>>
      %dma_wait3A_57 = tpu.memref_slice %arg3[%mul3A_22] : memref<16777216xf32, #tpu.memory_space<hbm>> -> memref<32768xf32, #tpu.memory_space<hbm>>
      tpu.wait_dma2 semaphore(%arg8 : memref<!tpu.dma_semaphore, #tpu.memory_space<semaphore_mem>>) src(%dma_wait3A_57 : memref<32768xf32, #tpu.memory_space<hbm>>) dst(%arg5 : memref<32768xf32, #tpu.memory_space<vmem>>)
      %parallel_loop3A = arith.constant 0 : i32
      %parallel_loop3A_58 = arith.constant 2048 : i32
      %parallel_loop3A_59 = arith.constant 1 : i32
      %parallel_loop3A_60:2 = scf.for %parallel_loop3A_69 = %parallel_loop3A to %parallel_loop3A_58 step %parallel_loop3A_59 iter_args(%parallel_loop3A_70 = %scan3A_46, %parallel_loop3A_71 = %scan3A_47) -> (vector<16xf32>, vector<16xf32>)  : i32 {
        %parallel_loop3A_72 = arith.constant 16 : i32
        %parallel_loop3A_73 = arith.muli %parallel_loop3A_69, %parallel_loop3A_72 : i32
        %parallel_loop3A_74 = arith.index_cast %parallel_loop3A_73 : i32 to index
        %parallel_loop3A_75 = tpu.vector_load %arg5[%parallel_loop3A_74] {strides = array<i32>} : memref<32768xf32, #tpu.memory_space<vmem>>, vector<16xf32>,
        %parallel_loop3A_76 = arith.minimumf %parallel_loop3A_70, %parallel_loop3A_75 : vector<16xf32>
        %parallel_loop3A_77 = arith.maximumf %parallel_loop3A_71, %parallel_loop3A_75 : vector<16xf32>
        scf.yield %parallel_loop3A_76, %parallel_loop3A_77 : vector<16xf32>, vector<16xf32>
      } {sc.loop_unroll_factor = 8 : i64, sc.parallel_access}
      %lt3A = arith.constant 7 : i32
      %lt3A_61 = arith.cmpi slt, %scan3A_45, %lt3A : i32
      %convert_element_type3A = arith.extui %lt3A_61 : i1 to i32
      %cond3A = arith.constant 0 : i32
      %cond3A_62 = arith.cmpi ne, %convert_element_type3A, %cond3A : i32
      scf.if %cond3A_62 {
        %add3A_69 = arith.constant 2 : i32
        %add3A_70 = arith.addi %mul3A_49, %add3A_69 : i32
        %mul3A_71 = arith.constant 32768 : i32
        %mul3A_72 = arith.muli %add3A_70, %mul3A_71 : i32
        %add3A_73 = arith.addi %mul3A_22, %mul3A_72 : i32
        %dma_start3A_74 = tpu.memref_slice %arg3[%add3A_73] : memref<16777216xf32, #tpu.memory_space<hbm>> -> memref<32768xf32, #tpu.memory_space<hbm>>
        %dma_start3A_75 = tpu.memref_slice %arg3[%add3A_73] : memref<16777216xf32, #tpu.memory_space<hbm>> -> memref<32768xf32, #tpu.memory_space<hbm>>
        tpu.enqueue_dma source(%dma_start3A_75 : memref<32768xf32, #tpu.memory_space<hbm>>) target(%arg5 : memref<32768xf32, #tpu.memory_space<vmem>>) target_semaphore(%arg8 : memref<!tpu.dma_semaphore, #tpu.memory_space<semaphore_mem>>)
      } else {
      }
      %dma_wait3A_63 = tpu.memref_slice %arg3[%mul3A_22] : memref<16777216xf32, #tpu.memory_space<hbm>> -> memref<32768xf32, #tpu.memory_space<hbm>>
      %dma_wait3A_64 = tpu.memref_slice %arg3[%mul3A_22] : memref<16777216xf32, #tpu.memory_space<hbm>> -> memref<32768xf32, #tpu.memory_space<hbm>>
      tpu.wait_dma2 semaphore(%arg9 : memref<!tpu.dma_semaphore, #tpu.memory_space<semaphore_mem>>) src(%dma_wait3A_64 : memref<32768xf32, #tpu.memory_space<hbm>>) dst(%arg6 : memref<32768xf32, #tpu.memory_space<vmem>>)
      %parallel_loop3A_65 = arith.constant 0 : i32
      %parallel_loop3A_66 = arith.constant 2048 : i32
      %parallel_loop3A_67 = arith.constant 1 : i32
      %parallel_loop3A_68:2 = scf.for %parallel_loop3A_69 = %parallel_loop3A_65 to %parallel_loop3A_66 step %parallel_loop3A_67 iter_args(%parallel_loop3A_70 = %parallel_loop3A_60#0, %parallel_loop3A_71 = %parallel_loop3A_60#1) -> (vector<16xf32>, vector<16xf32>)  : i32 {
        %parallel_loop3A_72 = arith.constant 16 : i32
        %parallel_loop3A_73 = arith.muli %parallel_loop3A_69, %parallel_loop3A_72 : i32
        %parallel_loop3A_74 = arith.index_cast %parallel_loop3A_73 : i32 to index
        %parallel_loop3A_75 = tpu.vector_load %arg6[%parallel_loop3A_74] {strides = array<i32>} : memref<32768xf32, #tpu.memory_space<vmem>>, vector<16xf32>,
        %parallel_loop3A_76 = arith.minimumf %parallel_loop3A_70, %parallel_loop3A_75 : vector<16xf32>
        %parallel_loop3A_77 = arith.maximumf %parallel_loop3A_71, %parallel_loop3A_75 : vector<16xf32>
        scf.yield %parallel_loop3A_76, %parallel_loop3A_77 : vector<16xf32>, vector<16xf32>
      } {sc.loop_unroll_factor = 8 : i64, sc.parallel_access}
      scf.yield %parallel_loop3A_68#0, %parallel_loop3A_68#1 : vector<16xf32>, vector<16xf32>
    }
    %scan3A_36 = arith.constant 8 : i32
    %swap3A_37 = arith.constant 2 : i32
    %swap3A_38 = arith.index_cast %swap3A_37 : i32 to index
    %swap3A_39 = arith.constant 0 : index
    %swap3A_40 = tpu.vector_load %arg7[%swap3A_38, %swap3A_39] {strides = array<i32>} : memref<4x16xf32, #tpu.memory_space<vmem>>, vector<16xf32>,
    tpu.vector_store %arg7[%swap3A_38, %swap3A_39], %scan3A_35#0 {strides = array<i32>} : memref<4x16xf32, #tpu.memory_space<vmem>>, vector<16xf32>,
    %swap3A_41 = arith.constant 3 : i32
    %swap3A_42 = arith.index_cast %swap3A_41 : i32 to index
    %swap3A_43 = arith.constant 0 : index
    %swap3A_44 = tpu.vector_load %arg7[%swap3A_42, %swap3A_43] {strides = array<i32>} : memref<4x16xf32, #tpu.memory_space<vmem>>, vector<16xf32>,
    tpu.vector_store %arg7[%swap3A_42, %swap3A_43], %scan3A_35#1 {strides = array<i32>} : memref<4x16xf32, #tpu.memory_space<vmem>>, vector<16xf32>,
    "tpu.region"() ({
      %run_scoped3A = tpu.sem_alloc : memref<!tpu.dma_semaphore, #tpu.memory_space<semaphore_mem>>
      %dma_start3A_45 = arith.constant 0 : i32
      %dma_start3A_46 = arith.constant 0 : i32
      %dma_start3A_47 = tpu.memref_slice %arg4[%add3A, %dma_start3A_45, %dma_start3A_46] : memref<32x4x16xf32, #tpu.memory_space<hbm>> -> memref<1x4x16xf32, #tpu.memory_space<hbm>>
      %dma_start3A_48 = tpu.memref_squeeze %dma_start3A_47 : memref<1x4x16xf32, #tpu.memory_space<hbm>> -> memref<4x16xf32, #tpu.memory_space<hbm>>
      %dma_start3A_49 = arith.constant 0 : i32
      %dma_start3A_50 = arith.constant 0 : i32
      %dma_start3A_51 = tpu.memref_slice %arg4[%add3A, %dma_start3A_49, %dma_start3A_50] : memref<32x4x16xf32, #tpu.memory_space<hbm>> -> memref<1x4x16xf32, #tpu.memory_space<hbm>>
      %dma_start3A_52 = tpu.memref_squeeze %dma_start3A_51 : memref<1x4x16xf32, #tpu.memory_space<hbm>> -> memref<4x16xf32, #tpu.memory_space<hbm>>
      tpu.enqueue_dma source(%arg7 : memref<4x16xf32, #tpu.memory_space<vmem>>) target(%dma_start3A_52 : memref<4x16xf32, #tpu.memory_space<hbm>>) target_semaphore(%run_scoped3A : memref<!tpu.dma_semaphore, #tpu.memory_space<semaphore_mem>>)
      %dma_wait3A = arith.constant 0 : i32
      %dma_wait3A_53 = arith.constant 0 : i32
      %dma_wait3A_54 = tpu.memref_slice %arg4[%add3A, %dma_wait3A, %dma_wait3A_53] : memref<32x4x16xf32, #tpu.memory_space<hbm>> -> memref<1x4x16xf32, #tpu.memory_space<hbm>>
      %dma_wait3A_55 = tpu.memref_squeeze %dma_wait3A_54 : memref<1x4x16xf32, #tpu.memory_space<hbm>> -> memref<4x16xf32, #tpu.memory_space<hbm>>
      %dma_wait3A_56 = arith.constant 0 : i32
      %dma_wait3A_57 = arith.constant 0 : i32
      %dma_wait3A_58 = tpu.memref_slice %arg4[%add3A, %dma_wait3A_56, %dma_wait3A_57] : memref<32x4x16xf32, #tpu.memory_space<hbm>> -> memref<1x4x16xf32, #tpu.memory_space<hbm>>
      %dma_wait3A_59 = tpu.memref_squeeze %dma_wait3A_58 : memref<1x4x16xf32, #tpu.memory_space<hbm>> -> memref<4x16xf32, #tpu.memory_space<hbm>>
      tpu.wait_dma2 semaphore(%run_scoped3A : memref<!tpu.dma_semaphore, #tpu.memory_space<semaphore_mem>>) src(%arg7 : memref<4x16xf32, #tpu.memory_space<vmem>>) dst(%dma_wait3A_59 : memref<4x16xf32, #tpu.memory_space<hbm>>)
      tpu.yield
    }) : () -> ()
    return
  }
}

#map = affine_map<(d0, d1) -> (0)>
#map1 = affine_map<(d0, d1) -> (0, 0)>
#map2 = affine_map<(d0, d1) -> (0, 0, 0)>
module attributes {stable_mosaic.version = 14 : i64} {
  func.func @_sc_hist_body(%arg0: i32, %arg1: i32, %arg2: memref<16777216xf32, #tpu.memory_space<hbm>>, %arg3: memref<4x16xf32, #tpu.memory_space<hbm>>, %arg4: memref<2x16xf32, #tpu.memory_space<hbm>>, %arg5: memref<32x16x16xf32, #tpu.memory_space<hbm>>, %arg6: memref<32768xf32, #tpu.memory_space<vmem>>, %arg7: memref<32768xf32, #tpu.memory_space<vmem>>, %arg8: memref<4x16xf32, #tpu.memory_space<vmem>>, %arg9: memref<16xf32, #tpu.memory_space<vmem>>, %arg10: memref<16xf32, #tpu.memory_space<vmem>>, %arg11: memref<16x16xf32, #tpu.memory_space<vmem>>, %arg12: memref<!tpu.dma_semaphore, #tpu.memory_space<semaphore_mem>>, %arg13: memref<!tpu.dma_semaphore, #tpu.memory_space<semaphore_mem>>) attributes {dimension_semantics = [#tpu.dimension_semantics<core_parallel>, #tpu.dimension_semantics<subcore_parallel>], iteration_bounds = array<i64: 2, 16>, scalar_prefetch = 0 : i64, scratch_operands = 8 : i64, tpu.core_type = #tpu.core_type<sc_vector_subcore>, window_params = [{transform_indices = #map}, {transform_indices = #map1}, {transform_indices = #map1}, {transform_indices = #map2}]} {
    %mul3A = arith.constant 2 : i32
    %mul3A_0 = arith.muli %arg1, %mul3A : i32
    %add3A = arith.addi %mul3A_0, %arg0 : i32
    %mul3A_1 = arith.constant 524288 : i32
    %mul3A_2 = arith.muli %add3A, %mul3A_1 : i32
    "tpu.region"() ({
      %run_scoped3A_123 = tpu.sem_alloc : memref<!tpu.dma_semaphore, #tpu.memory_space<semaphore_mem>>
      tpu.enqueue_dma source(%arg3 : memref<4x16xf32, #tpu.memory_space<hbm>>) target(%arg8 : memref<4x16xf32, #tpu.memory_space<vmem>>) target_semaphore(%run_scoped3A_123 : memref<!tpu.dma_semaphore, #tpu.memory_space<semaphore_mem>>)
      tpu.wait_dma2 semaphore(%run_scoped3A_123 : memref<!tpu.dma_semaphore, #tpu.memory_space<semaphore_mem>>) src(%arg3 : memref<4x16xf32, #tpu.memory_space<hbm>>) dst(%arg8 : memref<4x16xf32, #tpu.memory_space<vmem>>)
      tpu.yield
    }) : () -> ()
    %run_scoped3A = arith.constant 0 : i32
    "tpu.region"() ({
      %run_scoped3A_123 = tpu.sem_alloc : memref<!tpu.dma_semaphore, #tpu.memory_space<semaphore_mem>>
      %dma_start3A_124 = arith.constant 0 : i32
      %dma_start3A_125 = tpu.memref_slice %arg4[%run_scoped3A, %dma_start3A_124] : memref<2x16xf32, #tpu.memory_space<hbm>> -> memref<1x16xf32, #tpu.memory_space<hbm>>
      %dma_start3A_126 = tpu.memref_squeeze %dma_start3A_125 : memref<1x16xf32, #tpu.memory_space<hbm>> -> memref<16xf32, #tpu.memory_space<hbm>>
      %dma_start3A_127 = arith.constant 0 : i32
      %dma_start3A_128 = tpu.memref_slice %arg4[%run_scoped3A, %dma_start3A_127] : memref<2x16xf32, #tpu.memory_space<hbm>> -> memref<1x16xf32, #tpu.memory_space<hbm>>
      %dma_start3A_129 = tpu.memref_squeeze %dma_start3A_128 : memref<1x16xf32, #tpu.memory_space<hbm>> -> memref<16xf32, #tpu.memory_space<hbm>>
      tpu.enqueue_dma source(%dma_start3A_129 : memref<16xf32, #tpu.memory_space<hbm>>) target(%arg9 : memref<16xf32, #tpu.memory_space<vmem>>) target_semaphore(%run_scoped3A_123 : memref<!tpu.dma_semaphore, #tpu.memory_space<semaphore_mem>>)
      %dma_wait3A = arith.constant 0 : i32
      %dma_wait3A_130 = tpu.memref_slice %arg4[%run_scoped3A, %dma_wait3A] : memref<2x16xf32, #tpu.memory_space<hbm>> -> memref<1x16xf32, #tpu.memory_space<hbm>>
      %dma_wait3A_131 = tpu.memref_squeeze %dma_wait3A_130 : memref<1x16xf32, #tpu.memory_space<hbm>> -> memref<16xf32, #tpu.memory_space<hbm>>
      %dma_wait3A_132 = arith.constant 0 : i32
      %dma_wait3A_133 = tpu.memref_slice %arg4[%run_scoped3A, %dma_wait3A_132] : memref<2x16xf32, #tpu.memory_space<hbm>> -> memref<1x16xf32, #tpu.memory_space<hbm>>
      %dma_wait3A_134 = tpu.memref_squeeze %dma_wait3A_133 : memref<1x16xf32, #tpu.memory_space<hbm>> -> memref<16xf32, #tpu.memory_space<hbm>>
      tpu.wait_dma2 semaphore(%run_scoped3A_123 : memref<!tpu.dma_semaphore, #tpu.memory_space<semaphore_mem>>) src(%dma_wait3A_134 : memref<16xf32, #tpu.memory_space<hbm>>) dst(%arg9 : memref<16xf32, #tpu.memory_space<vmem>>)
      tpu.yield
    }) : () -> ()
    %run_scoped3A_3 = arith.constant 1 : i32
    "tpu.region"() ({
      %run_scoped3A_123 = tpu.sem_alloc : memref<!tpu.dma_semaphore, #tpu.memory_space<semaphore_mem>>
      %dma_start3A_124 = arith.constant 0 : i32
      %dma_start3A_125 = tpu.memref_slice %arg4[%run_scoped3A_3, %dma_start3A_124] : memref<2x16xf32, #tpu.memory_space<hbm>> -> memref<1x16xf32, #tpu.memory_space<hbm>>
      %dma_start3A_126 = tpu.memref_squeeze %dma_start3A_125 : memref<1x16xf32, #tpu.memory_space<hbm>> -> memref<16xf32, #tpu.memory_space<hbm>>
      %dma_start3A_127 = arith.constant 0 : i32
      %dma_start3A_128 = tpu.memref_slice %arg4[%run_scoped3A_3, %dma_start3A_127] : memref<2x16xf32, #tpu.memory_space<hbm>> -> memref<1x16xf32, #tpu.memory_space<hbm>>
      %dma_start3A_129 = tpu.memref_squeeze %dma_start3A_128 : memref<1x16xf32, #tpu.memory_space<hbm>> -> memref<16xf32, #tpu.memory_space<hbm>>
      tpu.enqueue_dma source(%dma_start3A_129 : memref<16xf32, #tpu.memory_space<hbm>>) target(%arg10 : memref<16xf32, #tpu.memory_space<vmem>>) target_semaphore(%run_scoped3A_123 : memref<!tpu.dma_semaphore, #tpu.memory_space<semaphore_mem>>)
      %dma_wait3A = arith.constant 0 : i32
      %dma_wait3A_130 = tpu.memref_slice %arg4[%run_scoped3A_3, %dma_wait3A] : memref<2x16xf32, #tpu.memory_space<hbm>> -> memref<1x16xf32, #tpu.memory_space<hbm>>
      %dma_wait3A_131 = tpu.memref_squeeze %dma_wait3A_130 : memref<1x16xf32, #tpu.memory_space<hbm>> -> memref<16xf32, #tpu.memory_space<hbm>>
      %dma_wait3A_132 = arith.constant 0 : i32
      %dma_wait3A_133 = tpu.memref_slice %arg4[%run_scoped3A_3, %dma_wait3A_132] : memref<2x16xf32, #tpu.memory_space<hbm>> -> memref<1x16xf32, #tpu.memory_space<hbm>>
      %dma_wait3A_134 = tpu.memref_squeeze %dma_wait3A_133 : memref<1x16xf32, #tpu.memory_space<hbm>> -> memref<16xf32, #tpu.memory_space<hbm>>
      tpu.wait_dma2 semaphore(%run_scoped3A_123 : memref<!tpu.dma_semaphore, #tpu.memory_space<semaphore_mem>>) src(%dma_wait3A_134 : memref<16xf32, #tpu.memory_space<hbm>>) dst(%arg10 : memref<16xf32, #tpu.memory_space<vmem>>)
      tpu.yield
    }) : () -> ()
    %broadcast_in_dim3A = arith.constant 0.000000e+00 : f32
    %broadcast_in_dim3A_4 = vector.broadcast %broadcast_in_dim3A : f32 to vector<16xf32>
    %swap3A = arith.constant 0 : i32
    %swap3A_5 = arith.index_cast %swap3A : i32 to index
    %swap3A_6 = arith.constant 0 : index
    %swap3A_7 = tpu.vector_load %arg11[%swap3A_5, %swap3A_6] {strides = array<i32>} : memref<16x16xf32, #tpu.memory_space<vmem>>, vector<16xf32>,
    tpu.vector_store %arg11[%swap3A_5, %swap3A_6], %broadcast_in_dim3A_4 {strides = array<i32>} : memref<16x16xf32, #tpu.memory_space<vmem>>, vector<16xf32>,
    %broadcast_in_dim3A_8 = arith.constant 0.000000e+00 : f32
    %broadcast_in_dim3A_9 = vector.broadcast %broadcast_in_dim3A_8 : f32 to vector<16xf32>
    %swap3A_10 = arith.constant 1 : i32
    %swap3A_11 = arith.index_cast %swap3A_10 : i32 to index
    %swap3A_12 = arith.constant 0 : index
    %swap3A_13 = tpu.vector_load %arg11[%swap3A_11, %swap3A_12] {strides = array<i32>} : memref<16x16xf32, #tpu.memory_space<vmem>>, vector<16xf32>,
    tpu.vector_store %arg11[%swap3A_11, %swap3A_12], %broadcast_in_dim3A_9 {strides = array<i32>} : memref<16x16xf32, #tpu.memory_space<vmem>>, vector<16xf32>,
    %broadcast_in_dim3A_14 = arith.constant 0.000000e+00 : f32
    %broadcast_in_dim3A_15 = vector.broadcast %broadcast_in_dim3A_14 : f32 to vector<16xf32>
    %swap3A_16 = arith.constant 2 : i32
    %swap3A_17 = arith.index_cast %swap3A_16 : i32 to index
    %swap3A_18 = arith.constant 0 : index
    %swap3A_19 = tpu.vector_load %arg11[%swap3A_17, %swap3A_18] {strides = array<i32>} : memref<16x16xf32, #tpu.memory_space<vmem>>, vector<16xf32>,
    tpu.vector_store %arg11[%swap3A_17, %swap3A_18], %broadcast_in_dim3A_15 {strides = array<i32>} : memref<16x16xf32, #tpu.memory_space<vmem>>, vector<16xf32>,
    %broadcast_in_dim3A_20 = arith.constant 0.000000e+00 : f32
    %broadcast_in_dim3A_21 = vector.broadcast %broadcast_in_dim3A_20 : f32 to vector<16xf32>
    %swap3A_22 = arith.constant 3 : i32
    %swap3A_23 = arith.index_cast %swap3A_22 : i32 to index
    %swap3A_24 = arith.constant 0 : index
    %swap3A_25 = tpu.vector_load %arg11[%swap3A_23, %swap3A_24] {strides = array<i32>} : memref<16x16xf32, #tpu.memory_space<vmem>>, vector<16xf32>,
    tpu.vector_store %arg11[%swap3A_23, %swap3A_24], %broadcast_in_dim3A_21 {strides = array<i32>} : memref<16x16xf32, #tpu.memory_space<vmem>>, vector<16xf32>,
    %broadcast_in_dim3A_26 = arith.constant 0.000000e+00 : f32
    %broadcast_in_dim3A_27 = vector.broadcast %broadcast_in_dim3A_26 : f32 to vector<16xf32>
    %swap3A_28 = arith.constant 4 : i32
    %swap3A_29 = arith.index_cast %swap3A_28 : i32 to index
    %swap3A_30 = arith.constant 0 : index
    %swap3A_31 = tpu.vector_load %arg11[%swap3A_29, %swap3A_30] {strides = array<i32>} : memref<16x16xf32, #tpu.memory_space<vmem>>, vector<16xf32>,
    tpu.vector_store %arg11[%swap3A_29, %swap3A_30], %broadcast_in_dim3A_27 {strides = array<i32>} : memref<16x16xf32, #tpu.memory_space<vmem>>, vector<16xf32>,
    %broadcast_in_dim3A_32 = arith.constant 0.000000e+00 : f32
    %broadcast_in_dim3A_33 = vector.broadcast %broadcast_in_dim3A_32 : f32 to vector<16xf32>
    %swap3A_34 = arith.constant 5 : i32
    %swap3A_35 = arith.index_cast %swap3A_34 : i32 to index
    %swap3A_36 = arith.constant 0 : index
    %swap3A_37 = tpu.vector_load %arg11[%swap3A_35, %swap3A_36] {strides = array<i32>} : memref<16x16xf32, #tpu.memory_space<vmem>>, vector<16xf32>,
    tpu.vector_store %arg11[%swap3A_35, %swap3A_36], %broadcast_in_dim3A_33 {strides = array<i32>} : memref<16x16xf32, #tpu.memory_space<vmem>>, vector<16xf32>,
    %broadcast_in_dim3A_38 = arith.constant 0.000000e+00 : f32
    %broadcast_in_dim3A_39 = vector.broadcast %broadcast_in_dim3A_38 : f32 to vector<16xf32>
    %swap3A_40 = arith.constant 6 : i32
    %swap3A_41 = arith.index_cast %swap3A_40 : i32 to index
    %swap3A_42 = arith.constant 0 : index
    %swap3A_43 = tpu.vector_load %arg11[%swap3A_41, %swap3A_42] {strides = array<i32>} : memref<16x16xf32, #tpu.memory_space<vmem>>, vector<16xf32>,
    tpu.vector_store %arg11[%swap3A_41, %swap3A_42], %broadcast_in_dim3A_39 {strides = array<i32>} : memref<16x16xf32, #tpu.memory_space<vmem>>, vector<16xf32>,
    %broadcast_in_dim3A_44 = arith.constant 0.000000e+00 : f32
    %broadcast_in_dim3A_45 = vector.broadcast %broadcast_in_dim3A_44 : f32 to vector<16xf32>
    %swap3A_46 = arith.constant 7 : i32
    %swap3A_47 = arith.index_cast %swap3A_46 : i32 to index
    %swap3A_48 = arith.constant 0 : index
    %swap3A_49 = tpu.vector_load %arg11[%swap3A_47, %swap3A_48] {strides = array<i32>} : memref<16x16xf32, #tpu.memory_space<vmem>>, vector<16xf32>,
    tpu.vector_store %arg11[%swap3A_47, %swap3A_48], %broadcast_in_dim3A_45 {strides = array<i32>} : memref<16x16xf32, #tpu.memory_space<vmem>>, vector<16xf32>,
    %broadcast_in_dim3A_50 = arith.constant 0.000000e+00 : f32
    %broadcast_in_dim3A_51 = vector.broadcast %broadcast_in_dim3A_50 : f32 to vector<16xf32>
    %swap3A_52 = arith.constant 8 : i32
    %swap3A_53 = arith.index_cast %swap3A_52 : i32 to index
    %swap3A_54 = arith.constant 0 : index
    %swap3A_55 = tpu.vector_load %arg11[%swap3A_53, %swap3A_54] {strides = array<i32>} : memref<16x16xf32, #tpu.memory_space<vmem>>, vector<16xf32>,
    tpu.vector_store %arg11[%swap3A_53, %swap3A_54], %broadcast_in_dim3A_51 {strides = array<i32>} : memref<16x16xf32, #tpu.memory_space<vmem>>, vector<16xf32>,
    %broadcast_in_dim3A_56 = arith.constant 0.000000e+00 : f32
    %broadcast_in_dim3A_57 = vector.broadcast %broadcast_in_dim3A_56 : f32 to vector<16xf32>
    %swap3A_58 = arith.constant 9 : i32
    %swap3A_59 = arith.index_cast %swap3A_58 : i32 to index
    %swap3A_60 = arith.constant 0 : index
    %swap3A_61 = tpu.vector_load %arg11[%swap3A_59, %swap3A_60] {strides = array<i32>} : memref<16x16xf32, #tpu.memory_space<vmem>>, vector<16xf32>,
    tpu.vector_store %arg11[%swap3A_59, %swap3A_60], %broadcast_in_dim3A_57 {strides = array<i32>} : memref<16x16xf32, #tpu.memory_space<vmem>>, vector<16xf32>,
    %broadcast_in_dim3A_62 = arith.constant 0.000000e+00 : f32
    %broadcast_in_dim3A_63 = vector.broadcast %broadcast_in_dim3A_62 : f32 to vector<16xf32>
    %swap3A_64 = arith.constant 10 : i32
    %swap3A_65 = arith.index_cast %swap3A_64 : i32 to index
    %swap3A_66 = arith.constant 0 : index
    %swap3A_67 = tpu.vector_load %arg11[%swap3A_65, %swap3A_66] {strides = array<i32>} : memref<16x16xf32, #tpu.memory_space<vmem>>, vector<16xf32>,
    tpu.vector_store %arg11[%swap3A_65, %swap3A_66], %broadcast_in_dim3A_63 {strides = array<i32>} : memref<16x16xf32, #tpu.memory_space<vmem>>, vector<16xf32>,
    %broadcast_in_dim3A_68 = arith.constant 0.000000e+00 : f32
    %broadcast_in_dim3A_69 = vector.broadcast %broadcast_in_dim3A_68 : f32 to vector<16xf32>
    %swap3A_70 = arith.constant 11 : i32
    %swap3A_71 = arith.index_cast %swap3A_70 : i32 to index
    %swap3A_72 = arith.constant 0 : index
    %swap3A_73 = tpu.vector_load %arg11[%swap3A_71, %swap3A_72] {strides = array<i32>} : memref<16x16xf32, #tpu.memory_space<vmem>>, vector<16xf32>,
    tpu.vector_store %arg11[%swap3A_71, %swap3A_72], %broadcast_in_dim3A_69 {strides = array<i32>} : memref<16x16xf32, #tpu.memory_space<vmem>>, vector<16xf32>,
    %broadcast_in_dim3A_74 = arith.constant 0.000000e+00 : f32
    %broadcast_in_dim3A_75 = vector.broadcast %broadcast_in_dim3A_74 : f32 to vector<16xf32>
    %swap3A_76 = arith.constant 12 : i32
    %swap3A_77 = arith.index_cast %swap3A_76 : i32 to index
    %swap3A_78 = arith.constant 0 : index
    %swap3A_79 = tpu.vector_load %arg11[%swap3A_77, %swap3A_78] {strides = array<i32>} : memref<16x16xf32, #tpu.memory_space<vmem>>, vector<16xf32>,
    tpu.vector_store %arg11[%swap3A_77, %swap3A_78], %broadcast_in_dim3A_75 {strides = array<i32>} : memref<16x16xf32, #tpu.memory_space<vmem>>, vector<16xf32>,
    %broadcast_in_dim3A_80 = arith.constant 0.000000e+00 : f32
    %broadcast_in_dim3A_81 = vector.broadcast %broadcast_in_dim3A_80 : f32 to vector<16xf32>
    %swap3A_82 = arith.constant 13 : i32
    %swap3A_83 = arith.index_cast %swap3A_82 : i32 to index
    %swap3A_84 = arith.constant 0 : index
    %swap3A_85 = tpu.vector_load %arg11[%swap3A_83, %swap3A_84] {strides = array<i32>} : memref<16x16xf32, #tpu.memory_space<vmem>>, vector<16xf32>,
    tpu.vector_store %arg11[%swap3A_83, %swap3A_84], %broadcast_in_dim3A_81 {strides = array<i32>} : memref<16x16xf32, #tpu.memory_space<vmem>>, vector<16xf32>,
    %broadcast_in_dim3A_86 = arith.constant 0.000000e+00 : f32
    %broadcast_in_dim3A_87 = vector.broadcast %broadcast_in_dim3A_86 : f32 to vector<16xf32>
    %swap3A_88 = arith.constant 14 : i32
    %swap3A_89 = arith.index_cast %swap3A_88 : i32 to index
    %swap3A_90 = arith.constant 0 : index
    %swap3A_91 = tpu.vector_load %arg11[%swap3A_89, %swap3A_90] {strides = array<i32>} : memref<16x16xf32, #tpu.memory_space<vmem>>, vector<16xf32>,
    tpu.vector_store %arg11[%swap3A_89, %swap3A_90], %broadcast_in_dim3A_87 {strides = array<i32>} : memref<16x16xf32, #tpu.memory_space<vmem>>, vector<16xf32>,
    %broadcast_in_dim3A_92 = arith.constant 0.000000e+00 : f32
    %broadcast_in_dim3A_93 = vector.broadcast %broadcast_in_dim3A_92 : f32 to vector<16xf32>
    %swap3A_94 = arith.constant 15 : i32
    %swap3A_95 = arith.index_cast %swap3A_94 : i32 to index
    %swap3A_96 = arith.constant 0 : index
    %swap3A_97 = tpu.vector_load %arg11[%swap3A_95, %swap3A_96] {strides = array<i32>} : memref<16x16xf32, #tpu.memory_space<vmem>>, vector<16xf32>,
    tpu.vector_store %arg11[%swap3A_95, %swap3A_96], %broadcast_in_dim3A_93 {strides = array<i32>} : memref<16x16xf32, #tpu.memory_space<vmem>>, vector<16xf32>,
    %get3A = arith.constant 0 : i32
    %get3A_98 = arith.index_cast %get3A : i32 to index
    %get3A_99 = arith.constant 0 : index
    %get3A_100 = tpu.vector_load %arg8[%get3A_98, %get3A_99] {strides = array<i32>} : memref<4x16xf32, #tpu.memory_space<vmem>>, vector<16xf32>,
    %get3A_101 = arith.constant 1 : i32
    %get3A_102 = arith.index_cast %get3A_101 : i32 to index
    %get3A_103 = arith.constant 0 : index
    %get3A_104 = tpu.vector_load %arg8[%get3A_102, %get3A_103] {strides = array<i32>} : memref<4x16xf32, #tpu.memory_space<vmem>>, vector<16xf32>,
    %get3A_105 = arith.constant 2 : i32
    %get3A_106 = arith.index_cast %get3A_105 : i32 to index
    %get3A_107 = arith.constant 0 : index
    %get3A_108 = tpu.vector_load %arg8[%get3A_106, %get3A_107] {strides = array<i32>} : memref<4x16xf32, #tpu.memory_space<vmem>>, vector<16xf32>,
    %iota3A = tpu.iota {dimensions = array<i32: 0>} : vector<16xi32>
    %broadcast_in_dim3A_109 = arith.constant 1 : i32
    %broadcast_in_dim3A_110 = vector.broadcast %broadcast_in_dim3A_109 : i32 to vector<16xi32>
    %broadcast_in_dim3A_111 = arith.constant 0 : i32
    %broadcast_in_dim3A_112 = vector.broadcast %broadcast_in_dim3A_111 : i32 to vector<16xi32>
    %broadcast_in_dim3A_113 = arith.constant 1.000000e+00 : f32
    %broadcast_in_dim3A_114 = vector.broadcast %broadcast_in_dim3A_113 : f32 to vector<16xf32>
    %add3A_115 = arith.constant 0 : i32
    %add3A_116 = arith.addi %mul3A_2, %add3A_115 : i32
    %dma_start3A = tpu.memref_slice %arg2[%add3A_116] : memref<16777216xf32, #tpu.memory_space<hbm>> -> memref<32768xf32, #tpu.memory_space<hbm>>
    %dma_start3A_117 = tpu.memref_slice %arg2[%add3A_116] : memref<16777216xf32, #tpu.memory_space<hbm>> -> memref<32768xf32, #tpu.memory_space<hbm>>
    tpu.enqueue_dma source(%dma_start3A_117 : memref<32768xf32, #tpu.memory_space<hbm>>) target(%arg6 : memref<32768xf32, #tpu.memory_space<vmem>>) target_semaphore(%arg12 : memref<!tpu.dma_semaphore, #tpu.memory_space<semaphore_mem>>)
    %scan3A = arith.constant 0 : i32
    %scan3A_118 = arith.constant 0 : i32
    %scan3A_119 = arith.constant 8 : i32
    %scan3A_120 = arith.addi %scan3A_118, %scan3A_119 : i32
    %scan3A_121 = arith.constant 1 : i32
    scf.for %scan3A_123 = %scan3A_118 to %scan3A_120 step %scan3A_121  : i32 {
      %mul3A_124 = arith.constant 2 : i32
      %mul3A_125 = arith.muli %scan3A_123, %mul3A_124 : i32
      %add3A_126 = arith.constant 1 : i32
      %add3A_127 = arith.addi %mul3A_125, %add3A_126 : i32
      %mul3A_128 = arith.constant 32768 : i32
      %mul3A_129 = arith.muli %add3A_127, %mul3A_128 : i32
      %add3A_130 = arith.addi %mul3A_2, %mul3A_129 : i32
      %dma_start3A_131 = tpu.memref_slice %arg2[%add3A_130] : memref<16777216xf32, #tpu.memory_space<hbm>> -> memref<32768xf32, #tpu.memory_space<hbm>>
      %dma_start3A_132 = tpu.memref_slice %arg2[%add3A_130] : memref<16777216xf32, #tpu.memory_space<hbm>> -> memref<32768xf32, #tpu.memory_space<hbm>>
      tpu.enqueue_dma source(%dma_start3A_132 : memref<32768xf32, #tpu.memory_space<hbm>>) target(%arg7 : memref<32768xf32, #tpu.memory_space<vmem>>) target_semaphore(%arg13 : memref<!tpu.dma_semaphore, #tpu.memory_space<semaphore_mem>>)
      %dma_wait3A = tpu.memref_slice %arg2[%mul3A_2] : memref<16777216xf32, #tpu.memory_space<hbm>> -> memref<32768xf32, #tpu.memory_space<hbm>>
      %dma_wait3A_133 = tpu.memref_slice %arg2[%mul3A_2] : memref<16777216xf32, #tpu.memory_space<hbm>> -> memref<32768xf32, #tpu.memory_space<hbm>>
      tpu.wait_dma2 semaphore(%arg12 : memref<!tpu.dma_semaphore, #tpu.memory_space<semaphore_mem>>) src(%dma_wait3A_133 : memref<32768xf32, #tpu.memory_space<hbm>>) dst(%arg6 : memref<32768xf32, #tpu.memory_space<vmem>>)
      %parallel_loop3A = arith.constant 0 : i32
      %parallel_loop3A_134 = arith.constant 2048 : i32
      %parallel_loop3A_135 = arith.constant 1 : i32
      scf.for %parallel_loop3A_143 = %parallel_loop3A to %parallel_loop3A_134 step %parallel_loop3A_135  : i32 {
        %parallel_loop3A_144 = arith.constant 16 : i32
        %parallel_loop3A_145 = arith.muli %parallel_loop3A_143, %parallel_loop3A_144 : i32
        %parallel_loop3A_146 = arith.index_cast %parallel_loop3A_145 : i32 to index
        %parallel_loop3A_147 = tpu.vector_load %arg6[%parallel_loop3A_146] {strides = array<i32>} : memref<32768xf32, #tpu.memory_space<vmem>>, vector<16xf32>,
        %parallel_loop3A_148 = arith.subf %parallel_loop3A_147, %get3A_100 : vector<16xf32>
        %parallel_loop3A_149 = arith.mulf %parallel_loop3A_148, %get3A_104 : vector<16xf32>
        %parallel_loop3A_150 = arith.addf %parallel_loop3A_149, %get3A_108 : vector<16xf32>
        %parallel_loop3A_151 = arith.fptosi %parallel_loop3A_150 : vector<16xf32> to vector<16xi32>
        %parallel_loop3A_152 = tpu.vector_load_idx %arg10[%parallel_loop3A_151] : memref<16xf32, #tpu.memory_space<vmem>>[vector<16xi32>], vector<16xf32>,
        %parallel_loop3A_153 = tpu.vector_load_idx %arg9[%parallel_loop3A_151] : memref<16xf32, #tpu.memory_space<vmem>>[vector<16xi32>], vector<16xf32>,
        %parallel_loop3A_154 = arith.cmpf oge, %parallel_loop3A_147, %parallel_loop3A_152 : vector<16xf32>
        %parallel_loop3A_155 = arith.select %parallel_loop3A_154, %broadcast_in_dim3A_110, %broadcast_in_dim3A_112 : vector<16xi1>, vector<16xi32>
        %parallel_loop3A_156 = arith.addi %parallel_loop3A_151, %parallel_loop3A_155 : vector<16xi32>
        %parallel_loop3A_157 = arith.cmpf olt, %parallel_loop3A_147, %parallel_loop3A_153 : vector<16xf32>
        %parallel_loop3A_158 = arith.select %parallel_loop3A_157, %broadcast_in_dim3A_110, %broadcast_in_dim3A_112 : vector<16xi1>, vector<16xi32>
        %parallel_loop3A_159 = arith.subi %parallel_loop3A_156, %parallel_loop3A_158 : vector<16xi32>
        tpu.vector_store_idx %arg11[%parallel_loop3A_159, %iota3A], %broadcast_in_dim3A_114 {add = true} : memref<16x16xf32, #tpu.memory_space<vmem>>[vector<16xi32>, vector<16xi32>], vector<16xf32>,
      } {sc.loop_unroll_factor = 8 : i64, sc.parallel_access}
      %lt3A = arith.constant 7 : i32
      %lt3A_136 = arith.cmpi slt, %scan3A_123, %lt3A : i32
      %convert_element_type3A = arith.extui %lt3A_136 : i1 to i32
      %cond3A = arith.constant 0 : i32
      %cond3A_137 = arith.cmpi ne, %convert_element_type3A, %cond3A : i32
      scf.if %cond3A_137 {
        %add3A_143 = arith.constant 2 : i32
        %add3A_144 = arith.addi %mul3A_125, %add3A_143 : i32
        %mul3A_145 = arith.constant 32768 : i32
        %mul3A_146 = arith.muli %add3A_144, %mul3A_145 : i32
        %add3A_147 = arith.addi %mul3A_2, %mul3A_146 : i32
        %dma_start3A_148 = tpu.memref_slice %arg2[%add3A_147] : memref<16777216xf32, #tpu.memory_space<hbm>> -> memref<32768xf32, #tpu.memory_space<hbm>>
        %dma_start3A_149 = tpu.memref_slice %arg2[%add3A_147] : memref<16777216xf32, #tpu.memory_space<hbm>> -> memref<32768xf32, #tpu.memory_space<hbm>>
        tpu.enqueue_dma source(%dma_start3A_149 : memref<32768xf32, #tpu.memory_space<hbm>>) target(%arg6 : memref<32768xf32, #tpu.memory_space<vmem>>) target_semaphore(%arg12 : memref<!tpu.dma_semaphore, #tpu.memory_space<semaphore_mem>>)
      } else {
      }
      %dma_wait3A_138 = tpu.memref_slice %arg2[%mul3A_2] : memref<16777216xf32, #tpu.memory_space<hbm>> -> memref<32768xf32, #tpu.memory_space<hbm>>
      %dma_wait3A_139 = tpu.memref_slice %arg2[%mul3A_2] : memref<16777216xf32, #tpu.memory_space<hbm>> -> memref<32768xf32, #tpu.memory_space<hbm>>
      tpu.wait_dma2 semaphore(%arg13 : memref<!tpu.dma_semaphore, #tpu.memory_space<semaphore_mem>>) src(%dma_wait3A_139 : memref<32768xf32, #tpu.memory_space<hbm>>) dst(%arg7 : memref<32768xf32, #tpu.memory_space<vmem>>)
      %parallel_loop3A_140 = arith.constant 0 : i32
      %parallel_loop3A_141 = arith.constant 2048 : i32
      %parallel_loop3A_142 = arith.constant 1 : i32
      scf.for %parallel_loop3A_143 = %parallel_loop3A_140 to %parallel_loop3A_141 step %parallel_loop3A_142  : i32 {
        %parallel_loop3A_144 = arith.constant 16 : i32
        %parallel_loop3A_145 = arith.muli %parallel_loop3A_143, %parallel_loop3A_144 : i32
        %parallel_loop3A_146 = arith.index_cast %parallel_loop3A_145 : i32 to index
        %parallel_loop3A_147 = tpu.vector_load %arg7[%parallel_loop3A_146] {strides = array<i32>} : memref<32768xf32, #tpu.memory_space<vmem>>, vector<16xf32>,
        %parallel_loop3A_148 = arith.subf %parallel_loop3A_147, %get3A_100 : vector<16xf32>
        %parallel_loop3A_149 = arith.mulf %parallel_loop3A_148, %get3A_104 : vector<16xf32>
        %parallel_loop3A_150 = arith.addf %parallel_loop3A_149, %get3A_108 : vector<16xf32>
        %parallel_loop3A_151 = arith.fptosi %parallel_loop3A_150 : vector<16xf32> to vector<16xi32>
        %parallel_loop3A_152 = tpu.vector_load_idx %arg10[%parallel_loop3A_151] : memref<16xf32, #tpu.memory_space<vmem>>[vector<16xi32>], vector<16xf32>,
        %parallel_loop3A_153 = tpu.vector_load_idx %arg9[%parallel_loop3A_151] : memref<16xf32, #tpu.memory_space<vmem>>[vector<16xi32>], vector<16xf32>,
        %parallel_loop3A_154 = arith.cmpf oge, %parallel_loop3A_147, %parallel_loop3A_152 : vector<16xf32>
        %parallel_loop3A_155 = arith.select %parallel_loop3A_154, %broadcast_in_dim3A_110, %broadcast_in_dim3A_112 : vector<16xi1>, vector<16xi32>
        %parallel_loop3A_156 = arith.addi %parallel_loop3A_151, %parallel_loop3A_155 : vector<16xi32>
        %parallel_loop3A_157 = arith.cmpf olt, %parallel_loop3A_147, %parallel_loop3A_153 : vector<16xf32>
        %parallel_loop3A_158 = arith.select %parallel_loop3A_157, %broadcast_in_dim3A_110, %broadcast_in_dim3A_112 : vector<16xi1>, vector<16xi32>
        %parallel_loop3A_159 = arith.subi %parallel_loop3A_156, %parallel_loop3A_158 : vector<16xi32>
        tpu.vector_store_idx %arg11[%parallel_loop3A_159, %iota3A], %broadcast_in_dim3A_114 {add = true} : memref<16x16xf32, #tpu.memory_space<vmem>>[vector<16xi32>, vector<16xi32>], vector<16xf32>,
      } {sc.loop_unroll_factor = 8 : i64, sc.parallel_access}
    }
    %scan3A_122 = arith.constant 8 : i32
    "tpu.region"() ({
      %run_scoped3A_123 = tpu.sem_alloc : memref<!tpu.dma_semaphore, #tpu.memory_space<semaphore_mem>>
      %dma_start3A_124 = arith.constant 0 : i32
      %dma_start3A_125 = arith.constant 0 : i32
      %dma_start3A_126 = tpu.memref_slice %arg5[%add3A, %dma_start3A_124, %dma_start3A_125] : memref<32x16x16xf32, #tpu.memory_space<hbm>> -> memref<1x16x16xf32, #tpu.memory_space<hbm>>
      %dma_start3A_127 = tpu.memref_squeeze %dma_start3A_126 : memref<1x16x16xf32, #tpu.memory_space<hbm>> -> memref<16x16xf32, #tpu.memory_space<hbm>>
      %dma_start3A_128 = arith.constant 0 : i32
      %dma_start3A_129 = arith.constant 0 : i32
      %dma_start3A_130 = tpu.memref_slice %arg5[%add3A, %dma_start3A_128, %dma_start3A_129] : memref<32x16x16xf32, #tpu.memory_space<hbm>> -> memref<1x16x16xf32, #tpu.memory_space<hbm>>
      %dma_start3A_131 = tpu.memref_squeeze %dma_start3A_130 : memref<1x16x16xf32, #tpu.memory_space<hbm>> -> memref<16x16xf32, #tpu.memory_space<hbm>>
      tpu.enqueue_dma source(%arg11 : memref<16x16xf32, #tpu.memory_space<vmem>>) target(%dma_start3A_131 : memref<16x16xf32, #tpu.memory_space<hbm>>) target_semaphore(%run_scoped3A_123 : memref<!tpu.dma_semaphore, #tpu.memory_space<semaphore_mem>>)
      %dma_wait3A = arith.constant 0 : i32
      %dma_wait3A_132 = arith.constant 0 : i32
      %dma_wait3A_133 = tpu.memref_slice %arg5[%add3A, %dma_wait3A, %dma_wait3A_132] : memref<32x16x16xf32, #tpu.memory_space<hbm>> -> memref<1x16x16xf32, #tpu.memory_space<hbm>>
      %dma_wait3A_134 = tpu.memref_squeeze %dma_wait3A_133 : memref<1x16x16xf32, #tpu.memory_space<hbm>> -> memref<16x16xf32, #tpu.memory_space<hbm>>
      %dma_wait3A_135 = arith.constant 0 : i32
      %dma_wait3A_136 = arith.constant 0 : i32
      %dma_wait3A_137 = tpu.memref_slice %arg5[%add3A, %dma_wait3A_135, %dma_wait3A_136] : memref<32x16x16xf32, #tpu.memory_space<hbm>> -> memref<1x16x16xf32, #tpu.memory_space<hbm>>
      %dma_wait3A_138 = tpu.memref_squeeze %dma_wait3A_137 : memref<1x16x16xf32, #tpu.memory_space<hbm>> -> memref<16x16xf32, #tpu.memory_space<hbm>>
      tpu.wait_dma2 semaphore(%run_scoped3A_123 : memref<!tpu.dma_semaphore, #tpu.memory_space<semaphore_mem>>) src(%arg11 : memref<16x16xf32, #tpu.memory_space<vmem>>) dst(%dma_wait3A_138 : memref<16x16xf32, #tpu.memory_space<hbm>>)
      tpu.yield
    }) : () -> ()
    return
  }
}

module attributes {stable_mosaic.version = 14 : i64} {
  func.func @_tc_hist_body(%arg0: i32, %arg1: memref<9xf32, #tpu.memory_space<smem>>, %arg2: memref<512x1024xf32, #tpu.memory_space<vmem>>, %arg3: memref<16xf32, #tpu.memory_space<smem>>, %arg4: memref<16xf32, #tpu.memory_space<smem>>) attributes {dimension_semantics = [#tpu.dimension_semantics<arbitrary>], iteration_bounds = array<i64: 32>, scalar_prefetch = 0 : i64, scratch_operands = 1 : i64, tpu.core_type = #tpu.core_type<tc>, window_params = [{transform_indices = @transform_0, window_bounds = array<i64: 9>}, {transform_indices = @transform_1, window_bounds = array<i64: 512, 1024>}, {transform_indices = @transform_2, window_bounds = array<i64: 16>}]} {
    %eq3A = arith.constant 0 : i32
    %eq3A_0 = arith.cmpi eq, %arg0, %eq3A : i32
    %convert_element_type3A = arith.extui %eq3A_0 : i1 to i32
    %cond3A = arith.constant 0 : i32
    %cond3A_1 = arith.cmpi ne, %convert_element_type3A, %cond3A : i32
    scf.if %cond3A_1 {
      %swap3A_149 = arith.constant 0.000000e+00 : f32
      %swap3A_150 = arith.constant 0 : index
      %swap3A_151 = memref.load %arg4[%swap3A_150] : memref<16xf32, #tpu.memory_space<smem>>
      memref.store %swap3A_149, %arg4[%swap3A_150] : memref<16xf32, #tpu.memory_space<smem>>
      %swap3A_152 = arith.constant 0.000000e+00 : f32
      %swap3A_153 = arith.constant 1 : index
      %swap3A_154 = memref.load %arg4[%swap3A_153] : memref<16xf32, #tpu.memory_space<smem>>
      memref.store %swap3A_152, %arg4[%swap3A_153] : memref<16xf32, #tpu.memory_space<smem>>
      %swap3A_155 = arith.constant 0.000000e+00 : f32
      %swap3A_156 = arith.constant 2 : index
      %swap3A_157 = memref.load %arg4[%swap3A_156] : memref<16xf32, #tpu.memory_space<smem>>
      memref.store %swap3A_155, %arg4[%swap3A_156] : memref<16xf32, #tpu.memory_space<smem>>
      %swap3A_158 = arith.constant 0.000000e+00 : f32
      %swap3A_159 = arith.constant 3 : index
      %swap3A_160 = memref.load %arg4[%swap3A_159] : memref<16xf32, #tpu.memory_space<smem>>
      memref.store %swap3A_158, %arg4[%swap3A_159] : memref<16xf32, #tpu.memory_space<smem>>
      %swap3A_161 = arith.constant 0.000000e+00 : f32
      %swap3A_162 = arith.constant 4 : index
      %swap3A_163 = memref.load %arg4[%swap3A_162] : memref<16xf32, #tpu.memory_space<smem>>
      memref.store %swap3A_161, %arg4[%swap3A_162] : memref<16xf32, #tpu.memory_space<smem>>
      %swap3A_164 = arith.constant 0.000000e+00 : f32
      %swap3A_165 = arith.constant 5 : index
      %swap3A_166 = memref.load %arg4[%swap3A_165] : memref<16xf32, #tpu.memory_space<smem>>
      memref.store %swap3A_164, %arg4[%swap3A_165] : memref<16xf32, #tpu.memory_space<smem>>
      %swap3A_167 = arith.constant 0.000000e+00 : f32
      %swap3A_168 = arith.constant 6 : index
      %swap3A_169 = memref.load %arg4[%swap3A_168] : memref<16xf32, #tpu.memory_space<smem>>
      memref.store %swap3A_167, %arg4[%swap3A_168] : memref<16xf32, #tpu.memory_space<smem>>
      %swap3A_170 = arith.constant 0.000000e+00 : f32
      %swap3A_171 = arith.constant 7 : index
      %swap3A_172 = memref.load %arg4[%swap3A_171] : memref<16xf32, #tpu.memory_space<smem>>
      memref.store %swap3A_170, %arg4[%swap3A_171] : memref<16xf32, #tpu.memory_space<smem>>
      %swap3A_173 = arith.constant 0.000000e+00 : f32
      %swap3A_174 = arith.constant 8 : index
      %swap3A_175 = memref.load %arg4[%swap3A_174] : memref<16xf32, #tpu.memory_space<smem>>
      memref.store %swap3A_173, %arg4[%swap3A_174] : memref<16xf32, #tpu.memory_space<smem>>
    } else {
    }
    %get3A = arith.constant 0 : index
    %get3A_2 = arith.constant 0 : index
    %get3A_3 = vector.load %arg2[%get3A, %get3A_2] : memref<512x1024xf32, #tpu.memory_space<vmem>>, vector<512x1024xf32>
    %get3A_4 = arith.constant 0 : index
    %get3A_5 = memref.load %arg4[%get3A_4] : memref<16xf32, #tpu.memory_space<smem>>
    %get3A_6 = arith.constant 0 : index
    %get3A_7 = memref.load %arg1[%get3A_6] : memref<9xf32, #tpu.memory_space<smem>>
    %ge3A = vector.broadcast %get3A_7 : f32 to vector<512x1024xf32>
    %ge3A_8 = arith.cmpf oge, %get3A_3, %ge3A : vector<512x1024xf32>
    %convert_element_type3A_9 = arith.extui %ge3A_8 : vector<512x1024xi1> to vector<512x1024xi32>
    %convert_element_type3A_10 = arith.sitofp %convert_element_type3A_9 : vector<512x1024xi32> to vector<512x1024xf32>
    %reduce_sum3A = vector.shape_cast %convert_element_type3A_10 : vector<512x1024xf32> to vector<1x512x1024xf32>
    %reduce_sum3A_11 = arith.constant dense<0.000000e+00> : vector<1xf32>
    %reduce_sum3A_12 = vector.multi_reduction <add>, %reduce_sum3A, %reduce_sum3A_11 [1, 2] : vector<1x512x1024xf32> to vector<1xf32>
    %reduce_sum3A_13 = vector.shape_cast %reduce_sum3A_12 : vector<1xf32> to vector<1x1x1xf32>
    %reduce_sum3A_14 = vector.extract %reduce_sum3A_13[0, 0, 0] : f32 from vector<1x1x1xf32>
    %add3A = arith.addf %get3A_5, %reduce_sum3A_14 : f32
    %swap3A = arith.constant 0 : index
    %swap3A_15 = memref.load %arg4[%swap3A] : memref<16xf32, #tpu.memory_space<smem>>
    memref.store %add3A, %arg4[%swap3A] : memref<16xf32, #tpu.memory_space<smem>>
    %get3A_16 = arith.constant 1 : index
    %get3A_17 = memref.load %arg4[%get3A_16] : memref<16xf32, #tpu.memory_space<smem>>
    %get3A_18 = arith.constant 1 : index
    %get3A_19 = memref.load %arg1[%get3A_18] : memref<9xf32, #tpu.memory_space<smem>>
    %ge3A_20 = vector.broadcast %get3A_19 : f32 to vector<512x1024xf32>
    %ge3A_21 = arith.cmpf oge, %get3A_3, %ge3A_20 : vector<512x1024xf32>
    %convert_element_type3A_22 = arith.extui %ge3A_21 : vector<512x1024xi1> to vector<512x1024xi32>
    %convert_element_type3A_23 = arith.sitofp %convert_element_type3A_22 : vector<512x1024xi32> to vector<512x1024xf32>
    %reduce_sum3A_24 = vector.shape_cast %convert_element_type3A_23 : vector<512x1024xf32> to vector<1x512x1024xf32>
    %reduce_sum3A_25 = arith.constant dense<0.000000e+00> : vector<1xf32>
    %reduce_sum3A_26 = vector.multi_reduction <add>, %reduce_sum3A_24, %reduce_sum3A_25 [1, 2] : vector<1x512x1024xf32> to vector<1xf32>
    %reduce_sum3A_27 = vector.shape_cast %reduce_sum3A_26 : vector<1xf32> to vector<1x1x1xf32>
    %reduce_sum3A_28 = vector.extract %reduce_sum3A_27[0, 0, 0] : f32 from vector<1x1x1xf32>
    %add3A_29 = arith.addf %get3A_17, %reduce_sum3A_28 : f32
    %swap3A_30 = arith.constant 1 : index
    %swap3A_31 = memref.load %arg4[%swap3A_30] : memref<16xf32, #tpu.memory_space<smem>>
    memref.store %add3A_29, %arg4[%swap3A_30] : memref<16xf32, #tpu.memory_space<smem>>
    %get3A_32 = arith.constant 2 : index
    %get3A_33 = memref.load %arg4[%get3A_32] : memref<16xf32, #tpu.memory_space<smem>>
    %get3A_34 = arith.constant 2 : index
    %get3A_35 = memref.load %arg1[%get3A_34] : memref<9xf32, #tpu.memory_space<smem>>
    %ge3A_36 = vector.broadcast %get3A_35 : f32 to vector<512x1024xf32>
    %ge3A_37 = arith.cmpf oge, %get3A_3, %ge3A_36 : vector<512x1024xf32>
    %convert_element_type3A_38 = arith.extui %ge3A_37 : vector<512x1024xi1> to vector<512x1024xi32>
    %convert_element_type3A_39 = arith.sitofp %convert_element_type3A_38 : vector<512x1024xi32> to vector<512x1024xf32>
    %reduce_sum3A_40 = vector.shape_cast %convert_element_type3A_39 : vector<512x1024xf32> to vector<1x512x1024xf32>
    %reduce_sum3A_41 = arith.constant dense<0.000000e+00> : vector<1xf32>
    %reduce_sum3A_42 = vector.multi_reduction <add>, %reduce_sum3A_40, %reduce_sum3A_41 [1, 2] : vector<1x512x1024xf32> to vector<1xf32>
    %reduce_sum3A_43 = vector.shape_cast %reduce_sum3A_42 : vector<1xf32> to vector<1x1x1xf32>
    %reduce_sum3A_44 = vector.extract %reduce_sum3A_43[0, 0, 0] : f32 from vector<1x1x1xf32>
    %add3A_45 = arith.addf %get3A_33, %reduce_sum3A_44 : f32
    %swap3A_46 = arith.constant 2 : index
    %swap3A_47 = memref.load %arg4[%swap3A_46] : memref<16xf32, #tpu.memory_space<smem>>
    memref.store %add3A_45, %arg4[%swap3A_46] : memref<16xf32, #tpu.memory_space<smem>>
    %get3A_48 = arith.constant 3 : index
    %get3A_49 = memref.load %arg4[%get3A_48] : memref<16xf32, #tpu.memory_space<smem>>
    %get3A_50 = arith.constant 3 : index
    %get3A_51 = memref.load %arg1[%get3A_50] : memref<9xf32, #tpu.memory_space<smem>>
    %ge3A_52 = vector.broadcast %get3A_51 : f32 to vector<512x1024xf32>
    %ge3A_53 = arith.cmpf oge, %get3A_3, %ge3A_52 : vector<512x1024xf32>
    %convert_element_type3A_54 = arith.extui %ge3A_53 : vector<512x1024xi1> to vector<512x1024xi32>
    %convert_element_type3A_55 = arith.sitofp %convert_element_type3A_54 : vector<512x1024xi32> to vector<512x1024xf32>
    %reduce_sum3A_56 = vector.shape_cast %convert_element_type3A_55 : vector<512x1024xf32> to vector<1x512x1024xf32>
    %reduce_sum3A_57 = arith.constant dense<0.000000e+00> : vector<1xf32>
    %reduce_sum3A_58 = vector.multi_reduction <add>, %reduce_sum3A_56, %reduce_sum3A_57 [1, 2] : vector<1x512x1024xf32> to vector<1xf32>
    %reduce_sum3A_59 = vector.shape_cast %reduce_sum3A_58 : vector<1xf32> to vector<1x1x1xf32>
    %reduce_sum3A_60 = vector.extract %reduce_sum3A_59[0, 0, 0] : f32 from vector<1x1x1xf32>
    %add3A_61 = arith.addf %get3A_49, %reduce_sum3A_60 : f32
    %swap3A_62 = arith.constant 3 : index
    %swap3A_63 = memref.load %arg4[%swap3A_62] : memref<16xf32, #tpu.memory_space<smem>>
    memref.store %add3A_61, %arg4[%swap3A_62] : memref<16xf32, #tpu.memory_space<smem>>
    %get3A_64 = arith.constant 4 : index
    %get3A_65 = memref.load %arg4[%get3A_64] : memref<16xf32, #tpu.memory_space<smem>>
    %get3A_66 = arith.constant 4 : index
    %get3A_67 = memref.load %arg1[%get3A_66] : memref<9xf32, #tpu.memory_space<smem>>
    %ge3A_68 = vector.broadcast %get3A_67 : f32 to vector<512x1024xf32>
    %ge3A_69 = arith.cmpf oge, %get3A_3, %ge3A_68 : vector<512x1024xf32>
    %convert_element_type3A_70 = arith.extui %ge3A_69 : vector<512x1024xi1> to vector<512x1024xi32>
    %convert_element_type3A_71 = arith.sitofp %convert_element_type3A_70 : vector<512x1024xi32> to vector<512x1024xf32>
    %reduce_sum3A_72 = vector.shape_cast %convert_element_type3A_71 : vector<512x1024xf32> to vector<1x512x1024xf32>
    %reduce_sum3A_73 = arith.constant dense<0.000000e+00> : vector<1xf32>
    %reduce_sum3A_74 = vector.multi_reduction <add>, %reduce_sum3A_72, %reduce_sum3A_73 [1, 2] : vector<1x512x1024xf32> to vector<1xf32>
    %reduce_sum3A_75 = vector.shape_cast %reduce_sum3A_74 : vector<1xf32> to vector<1x1x1xf32>
    %reduce_sum3A_76 = vector.extract %reduce_sum3A_75[0, 0, 0] : f32 from vector<1x1x1xf32>
    %add3A_77 = arith.addf %get3A_65, %reduce_sum3A_76 : f32
    %swap3A_78 = arith.constant 4 : index
    %swap3A_79 = memref.load %arg4[%swap3A_78] : memref<16xf32, #tpu.memory_space<smem>>
    memref.store %add3A_77, %arg4[%swap3A_78] : memref<16xf32, #tpu.memory_space<smem>>
    %get3A_80 = arith.constant 5 : index
    %get3A_81 = memref.load %arg4[%get3A_80] : memref<16xf32, #tpu.memory_space<smem>>
    %get3A_82 = arith.constant 5 : index
    %get3A_83 = memref.load %arg1[%get3A_82] : memref<9xf32, #tpu.memory_space<smem>>
    %ge3A_84 = vector.broadcast %get3A_83 : f32 to vector<512x1024xf32>
    %ge3A_85 = arith.cmpf oge, %get3A_3, %ge3A_84 : vector<512x1024xf32>
    %convert_element_type3A_86 = arith.extui %ge3A_85 : vector<512x1024xi1> to vector<512x1024xi32>
    %convert_element_type3A_87 = arith.sitofp %convert_element_type3A_86 : vector<512x1024xi32> to vector<512x1024xf32>
    %reduce_sum3A_88 = vector.shape_cast %convert_element_type3A_87 : vector<512x1024xf32> to vector<1x512x1024xf32>
    %reduce_sum3A_89 = arith.constant dense<0.000000e+00> : vector<1xf32>
    %reduce_sum3A_90 = vector.multi_reduction <add>, %reduce_sum3A_88, %reduce_sum3A_89 [1, 2] : vector<1x512x1024xf32> to vector<1xf32>
    %reduce_sum3A_91 = vector.shape_cast %reduce_sum3A_90 : vector<1xf32> to vector<1x1x1xf32>
    %reduce_sum3A_92 = vector.extract %reduce_sum3A_91[0, 0, 0] : f32 from vector<1x1x1xf32>
    %add3A_93 = arith.addf %get3A_81, %reduce_sum3A_92 : f32
    %swap3A_94 = arith.constant 5 : index
    %swap3A_95 = memref.load %arg4[%swap3A_94] : memref<16xf32, #tpu.memory_space<smem>>
    memref.store %add3A_93, %arg4[%swap3A_94] : memref<16xf32, #tpu.memory_space<smem>>
    %get3A_96 = arith.constant 6 : index
    %get3A_97 = memref.load %arg4[%get3A_96] : memref<16xf32, #tpu.memory_space<smem>>
    %get3A_98 = arith.constant 6 : index
    %get3A_99 = memref.load %arg1[%get3A_98] : memref<9xf32, #tpu.memory_space<smem>>
    %ge3A_100 = vector.broadcast %get3A_99 : f32 to vector<512x1024xf32>
    %ge3A_101 = arith.cmpf oge, %get3A_3, %ge3A_100 : vector<512x1024xf32>
    %convert_element_type3A_102 = arith.extui %ge3A_101 : vector<512x1024xi1> to vector<512x1024xi32>
    %convert_element_type3A_103 = arith.sitofp %convert_element_type3A_102 : vector<512x1024xi32> to vector<512x1024xf32>
    %reduce_sum3A_104 = vector.shape_cast %convert_element_type3A_103 : vector<512x1024xf32> to vector<1x512x1024xf32>
    %reduce_sum3A_105 = arith.constant dense<0.000000e+00> : vector<1xf32>
    %reduce_sum3A_106 = vector.multi_reduction <add>, %reduce_sum3A_104, %reduce_sum3A_105 [1, 2] : vector<1x512x1024xf32> to vector<1xf32>
    %reduce_sum3A_107 = vector.shape_cast %reduce_sum3A_106 : vector<1xf32> to vector<1x1x1xf32>
    %reduce_sum3A_108 = vector.extract %reduce_sum3A_107[0, 0, 0] : f32 from vector<1x1x1xf32>
    %add3A_109 = arith.addf %get3A_97, %reduce_sum3A_108 : f32
    %swap3A_110 = arith.constant 6 : index
    %swap3A_111 = memref.load %arg4[%swap3A_110] : memref<16xf32, #tpu.memory_space<smem>>
    memref.store %add3A_109, %arg4[%swap3A_110] : memref<16xf32, #tpu.memory_space<smem>>
    %get3A_112 = arith.constant 7 : index
    %get3A_113 = memref.load %arg4[%get3A_112] : memref<16xf32, #tpu.memory_space<smem>>
    %get3A_114 = arith.constant 7 : index
    %get3A_115 = memref.load %arg1[%get3A_114] : memref<9xf32, #tpu.memory_space<smem>>
    %ge3A_116 = vector.broadcast %get3A_115 : f32 to vector<512x1024xf32>
    %ge3A_117 = arith.cmpf oge, %get3A_3, %ge3A_116 : vector<512x1024xf32>
    %convert_element_type3A_118 = arith.extui %ge3A_117 : vector<512x1024xi1> to vector<512x1024xi32>
    %convert_element_type3A_119 = arith.sitofp %convert_element_type3A_118 : vector<512x1024xi32> to vector<512x1024xf32>
    %reduce_sum3A_120 = vector.shape_cast %convert_element_type3A_119 : vector<512x1024xf32> to vector<1x512x1024xf32>
    %reduce_sum3A_121 = arith.constant dense<0.000000e+00> : vector<1xf32>
    %reduce_sum3A_122 = vector.multi_reduction <add>, %reduce_sum3A_120, %reduce_sum3A_121 [1, 2] : vector<1x512x1024xf32> to vector<1xf32>
    %reduce_sum3A_123 = vector.shape_cast %reduce_sum3A_122 : vector<1xf32> to vector<1x1x1xf32>
    %reduce_sum3A_124 = vector.extract %reduce_sum3A_123[0, 0, 0] : f32 from vector<1x1x1xf32>
    %add3A_125 = arith.addf %get3A_113, %reduce_sum3A_124 : f32
    %swap3A_126 = arith.constant 7 : index
    %swap3A_127 = memref.load %arg4[%swap3A_126] : memref<16xf32, #tpu.memory_space<smem>>
    memref.store %add3A_125, %arg4[%swap3A_126] : memref<16xf32, #tpu.memory_space<smem>>
    %get3A_128 = arith.constant 8 : index
    %get3A_129 = memref.load %arg4[%get3A_128] : memref<16xf32, #tpu.memory_space<smem>>
    %get3A_130 = arith.constant 8 : index
    %get3A_131 = memref.load %arg1[%get3A_130] : memref<9xf32, #tpu.memory_space<smem>>
    %ge3A_132 = vector.broadcast %get3A_131 : f32 to vector<512x1024xf32>
    %ge3A_133 = arith.cmpf oge, %get3A_3, %ge3A_132 : vector<512x1024xf32>
    %convert_element_type3A_134 = arith.extui %ge3A_133 : vector<512x1024xi1> to vector<512x1024xi32>
    %convert_element_type3A_135 = arith.sitofp %convert_element_type3A_134 : vector<512x1024xi32> to vector<512x1024xf32>
    %reduce_sum3A_136 = vector.shape_cast %convert_element_type3A_135 : vector<512x1024xf32> to vector<1x512x1024xf32>
    %reduce_sum3A_137 = arith.constant dense<0.000000e+00> : vector<1xf32>
    %reduce_sum3A_138 = vector.multi_reduction <add>, %reduce_sum3A_136, %reduce_sum3A_137 [1, 2] : vector<1x512x1024xf32> to vector<1xf32>
    %reduce_sum3A_139 = vector.shape_cast %reduce_sum3A_138 : vector<1xf32> to vector<1x1x1xf32>
    %reduce_sum3A_140 = vector.extract %reduce_sum3A_139[0, 0, 0] : f32 from vector<1x1x1xf32>
    %add3A_141 = arith.addf %get3A_129, %reduce_sum3A_140 : f32
    %swap3A_142 = arith.constant 8 : index
    %swap3A_143 = memref.load %arg4[%swap3A_142] : memref<16xf32, #tpu.memory_space<smem>>
    memref.store %add3A_141, %arg4[%swap3A_142] : memref<16xf32, #tpu.memory_space<smem>>
    %eq3A_144 = arith.constant 31 : i32
    %eq3A_145 = arith.cmpi eq, %arg0, %eq3A_144 : i32
    %convert_element_type3A_146 = arith.extui %eq3A_145 : i1 to i32
    %cond3A_147 = arith.constant 0 : i32
    %cond3A_148 = arith.cmpi ne, %convert_element_type3A_146, %cond3A_147 : i32
    scf.if %cond3A_148 {
      %get3A_149 = arith.constant 0 : index
      %get3A_150 = memref.load %arg4[%get3A_149] : memref<16xf32, #tpu.memory_space<smem>>
      %swap3A_151 = arith.constant 0 : index
      %swap3A_152 = memref.load %arg3[%swap3A_151] : memref<16xf32, #tpu.memory_space<smem>>
      memref.store %get3A_150, %arg3[%swap3A_151] : memref<16xf32, #tpu.memory_space<smem>>
      %get3A_153 = arith.constant 1 : index
      %get3A_154 = memref.load %arg4[%get3A_153] : memref<16xf32, #tpu.memory_space<smem>>
      %swap3A_155 = arith.constant 1 : index
      %swap3A_156 = memref.load %arg3[%swap3A_155] : memref<16xf32, #tpu.memory_space<smem>>
      memref.store %get3A_154, %arg3[%swap3A_155] : memref<16xf32, #tpu.memory_space<smem>>
      %get3A_157 = arith.constant 2 : index
      %get3A_158 = memref.load %arg4[%get3A_157] : memref<16xf32, #tpu.memory_space<smem>>
      %swap3A_159 = arith.constant 2 : index
      %swap3A_160 = memref.load %arg3[%swap3A_159] : memref<16xf32, #tpu.memory_space<smem>>
      memref.store %get3A_158, %arg3[%swap3A_159] : memref<16xf32, #tpu.memory_space<smem>>
      %get3A_161 = arith.constant 3 : index
      %get3A_162 = memref.load %arg4[%get3A_161] : memref<16xf32, #tpu.memory_space<smem>>
      %swap3A_163 = arith.constant 3 : index
      %swap3A_164 = memref.load %arg3[%swap3A_163] : memref<16xf32, #tpu.memory_space<smem>>
      memref.store %get3A_162, %arg3[%swap3A_163] : memref<16xf32, #tpu.memory_space<smem>>
      %get3A_165 = arith.constant 4 : index
      %get3A_166 = memref.load %arg4[%get3A_165] : memref<16xf32, #tpu.memory_space<smem>>
      %swap3A_167 = arith.constant 4 : index
      %swap3A_168 = memref.load %arg3[%swap3A_167] : memref<16xf32, #tpu.memory_space<smem>>
      memref.store %get3A_166, %arg3[%swap3A_167] : memref<16xf32, #tpu.memory_space<smem>>
      %get3A_169 = arith.constant 5 : index
      %get3A_170 = memref.load %arg4[%get3A_169] : memref<16xf32, #tpu.memory_space<smem>>
      %swap3A_171 = arith.constant 5 : index
      %swap3A_172 = memref.load %arg3[%swap3A_171] : memref<16xf32, #tpu.memory_space<smem>>
      memref.store %get3A_170, %arg3[%swap3A_171] : memref<16xf32, #tpu.memory_space<smem>>
      %get3A_173 = arith.constant 6 : index
      %get3A_174 = memref.load %arg4[%get3A_173] : memref<16xf32, #tpu.memory_space<smem>>
      %swap3A_175 = arith.constant 6 : index
      %swap3A_176 = memref.load %arg3[%swap3A_175] : memref<16xf32, #tpu.memory_space<smem>>
      memref.store %get3A_174, %arg3[%swap3A_175] : memref<16xf32, #tpu.memory_space<smem>>
      %get3A_177 = arith.constant 7 : index
      %get3A_178 = memref.load %arg4[%get3A_177] : memref<16xf32, #tpu.memory_space<smem>>
      %swap3A_179 = arith.constant 7 : index
      %swap3A_180 = memref.load %arg3[%swap3A_179] : memref<16xf32, #tpu.memory_space<smem>>
      memref.store %get3A_178, %arg3[%swap3A_179] : memref<16xf32, #tpu.memory_space<smem>>
      %get3A_181 = arith.constant 8 : index
      %get3A_182 = memref.load %arg4[%get3A_181] : memref<16xf32, #tpu.memory_space<smem>>
      %swap3A_183 = arith.constant 8 : index
      %swap3A_184 = memref.load %arg3[%swap3A_183] : memref<16xf32, #tpu.memory_space<smem>>
      memref.store %get3A_182, %arg3[%swap3A_183] : memref<16xf32, #tpu.memory_space<smem>>
      %swap3A_185 = arith.constant 0.000000e+00 : f32
      %swap3A_186 = arith.constant 9 : index
      %swap3A_187 = memref.load %arg3[%swap3A_186] : memref<16xf32, #tpu.memory_space<smem>>
      memref.store %swap3A_185, %arg3[%swap3A_186] : memref<16xf32, #tpu.memory_space<smem>>
      %swap3A_188 = arith.constant 0.000000e+00 : f32
      %swap3A_189 = arith.constant 10 : index
      %swap3A_190 = memref.load %arg3[%swap3A_189] : memref<16xf32, #tpu.memory_space<smem>>
      memref.store %swap3A_188, %arg3[%swap3A_189] : memref<16xf32, #tpu.memory_space<smem>>
      %swap3A_191 = arith.constant 0.000000e+00 : f32
      %swap3A_192 = arith.constant 11 : index
      %swap3A_193 = memref.load %arg3[%swap3A_192] : memref<16xf32, #tpu.memory_space<smem>>
      memref.store %swap3A_191, %arg3[%swap3A_192] : memref<16xf32, #tpu.memory_space<smem>>
      %swap3A_194 = arith.constant 0.000000e+00 : f32
      %swap3A_195 = arith.constant 12 : index
      %swap3A_196 = memref.load %arg3[%swap3A_195] : memref<16xf32, #tpu.memory_space<smem>>
      memref.store %swap3A_194, %arg3[%swap3A_195] : memref<16xf32, #tpu.memory_space<smem>>
      %swap3A_197 = arith.constant 0.000000e+00 : f32
      %swap3A_198 = arith.constant 13 : index
      %swap3A_199 = memref.load %arg3[%swap3A_198] : memref<16xf32, #tpu.memory_space<smem>>
      memref.store %swap3A_197, %arg3[%swap3A_198] : memref<16xf32, #tpu.memory_space<smem>>
      %swap3A_200 = arith.constant 0.000000e+00 : f32
      %swap3A_201 = arith.constant 14 : index
      %swap3A_202 = memref.load %arg3[%swap3A_201] : memref<16xf32, #tpu.memory_space<smem>>
      memref.store %swap3A_200, %arg3[%swap3A_201] : memref<16xf32, #tpu.memory_space<smem>>
      %swap3A_203 = arith.constant 0.000000e+00 : f32
      %swap3A_204 = arith.constant 15 : index
      %swap3A_205 = memref.load %arg3[%swap3A_204] : memref<16xf32, #tpu.memory_space<smem>>
      memref.store %swap3A_203, %arg3[%swap3A_204] : memref<16xf32, #tpu.memory_space<smem>>
    } else {
    }
    return
  }
  func.func @transform_0(%arg0: i32) -> i32 {
    %c0_i32 = arith.constant 0 : i32
    %c0_i32_0 = arith.constant 0 : i32
    return %c0_i32 : i32
  }
  func.func @transform_1(%arg0: i32) -> (i32, i32) {
    %c0_i32 = arith.constant 0 : i32
    %c0_i32_0 = arith.constant 0 : i32
    return %arg0, %c0_i32 : i32, i32
  }
  func.func @transform_2(%arg0: i32) -> i32 {
    %c0_i32 = arith.constant 0 : i32
    %c0_i32_0 = arith.constant 0 : i32
    return %c0_i32 : i32
  }
}

</mosaic_0001>

<sc_bundles>
// kernel: kernel.5.cloned.1.call-start
scs
__scs_entry_jumppad:
0x0: {  	(pc) =	sbr.rel $0x88, $3  }
0x1: {  	(tag) =	ssettag $0x0;
	lr =	simm.s32 $0x1  }
0x2: {  	[smem:$0x3F9F] =	sst lr;
	_ =	strace $0xD0000000  }
0x3: {  	_ = 	snop  }
0x4: {  	_ = 	snop  }
0x5: {  	_ = 	snop  }
0x6: {  	_ = 	snop  }
0x7: {  	_ = 	snop  }
__scs_overlays_trampoline_lowered:
0x8: {  	[smem:$0x3FAE] =	sst s0  }
0x9: {  	[smem:$0x3FAF] =	sst s1  }
0xa: {  	[smem:$0x3FB0] =	sst s2  }
0xb: {  	[smem:$0x3FB1] =	sst s3  }
0xc: {  	[smem:$0x3FB2] =	sst s4  }
0xd: {  	[smem:$0x3FB3] =	sst s5  }
0xe: {  	[smem:$0x3FB4] =	sst s6  }
0xf: {  	[smem:$0x3FB5] =	sst s7  }
0x10: {  	[smem:$0x3FB6] =	sst s8  }
0x11: {  	[smem:$0x3FB7] =	sst s9;
	s0 =	simm.s32 @!p0 $0x0  }
0x12: {  	s1 =	sld [smem:$0x3F9D];
	s0 =	simm.s32 @p0 $0x1  }
0x13: {  	[smem:$0x3FB8] =	sst s0;
	s0 =	simm.s32 @!p1 $0x0  }
0x14: {  	s2 =	sld [smem:$0x3F9C];
	s0 =	simm.s32 @p1 $0x1  }
0x15: {  	[smem:$0x3FB9] =	sst s0;
	s0 =	simm.s32 @!p2 $0x0  }
0x16: {  	s3 =	sld [smem:$0x3FDB];
	s0 =	simm.s32 @p2 $0x1  }
0x17: {  	s4 =	simm.s32 $0x1BF5;
	[smem:$0x3FBB] =	sst s0  }
0x18: {  	s0 =	sld [smem:$0x3F9E];
	_ =	swait.ge [sflag:s4], $0x0  }
0x19: {  	s7 =	sld [smem:$0x3F9F]  }
0x1a: {  	s8 =	sadd.s32 $0xFFFFE003, lr  }
0x1b: {  	s9 =	sadd.s32 $0xFFFFFEF7, lr;
	s5 =	simm.s32 $0xFFFFFFFF;
	p2 =	slt.u32 s8, $0xFFFFF086  }
0x1c: {  	p1 =	slt.u32 s9, $0xF7A;
	s5 =	simm.s32 @!p2 $0x0  }
0x1d: {  	s5 =	simm.s32 @p1 $0x1;
	p0 =	seq.s32 s7, s2  }
0x1e: {  	s7 =	smul.u32 @!p0 $0xF7A, s2;
	p2 =	seq.s32 @!p0 s5, $0x0  }
0x1f: {  	s9 =	smul.u32 $0xF7A, s1;
	s8 =	simm.s32 @!p0 $0x1BF5;
	p2 =	por !p2, p0  }
0x20: {  	[sflag:s8] =	ssyncset.s32 @!p0 $0xFFFFF086;
	s6 =	sadd.s32 @!p0 s3, s7;
	s7 =	simm.s32 @!p0 $0x108  }
0x21: {  	s3 =	sadd.s32 s3, s9;
	s6 =	sadd.s32 @!p0 $0x88, s6;
	s7 =	simm.s32 @p2 $0x1082  }
0x22: {  	[simem:s7], [sflag:s8] =	dma.local @!p0 [hbm:s6], $0xF7A  }
0x23: {  	s9 =	sor.u32 $0xD0000000, s2;
	s6 =	simm.s32 $0x108;
	_ =	swait.ge @!p0 [sflag:s8], $0x0  }
0x24: {  	s3 =	sadd.s32 $0x88, s3;
	s6 =	simm.s32 @!p1 $0x1082;
	[sflag:s4] =	ssyncset.s32 $0xFFFFF086  }
0x25: {  	[simem:s6], [sflag:s4] =	dma.local [hbm:s3], $0xF7A  }
0x26: {  	[smem:$0x3F9F] =	sst s1;
	(tag) =	ssettag s2;
	_ =	strace s9  }
0x27: {  	s1 =	sld [smem:$0x3FAF]  }
0x28: {  	s2 =	sld [smem:$0x3FB0]  }
0x29: {  	s4 =	sld [smem:$0x3FB2]  }
0x2a: {  	p0 =	seq.s32 s5, $0x0;
	s5 =	sld [smem:$0x3FB3]  }
0x2b: {  	s6 =	sld [smem:$0x3FB4]  }
0x2c: {  	s7 =	sld [smem:$0x3FB5]  }
0x2d: {  	s3 =	simm.s32 $0x108;
	s8 =	sld [smem:$0x3FB6]  }
0x2e: {  	s3 =	simm.s32 @!p0 $0x1082;
	s9 =	sld [smem:$0x3FB7]  }
0x2f: {  	lr =	sadd.s32 s0, s3;
	s0 =	sld [smem:$0x3FAE]  }
0x30: {  	s3 =	sld [smem:$0x3FB1]  }
0x31: {  	[smem:$0x3FBA] =	sst s10  }
0x32: {  	s10 =	sld [smem:$0x3FB8];
	_ =	sdelay $0x3  }
0x33: {  	p0 =	seq.s32 s10, $0x1;
	s10 =	sld [smem:$0x3FBA];
	_ =	sdelay $0x3  }
0x34: {  	[smem:$0x3FBA] =	sst s10  }
0x35: {  	s10 =	sld [smem:$0x3FB9];
	_ =	sdelay $0x3  }
0x36: {  	p1 =	seq.s32 s10, $0x1;
	s10 =	sld [smem:$0x3FBA];
	_ =	sdelay $0x3  }
0x37: {  	[smem:$0x3FBA] =	sst s10  }
0x38: {  	s10 =	sld [smem:$0x3FBB]  }
0x39: {  	_ = 	snop;
	(pc) =	sbr.ind lr, $3  }
0x3a: {  	_ = 	snop  }
0x3b: {  	_ = 	snop  }
0x3c: {  	p2 =	seq.s32 s10, $0x1;
	s10 =	sld [smem:$0x3FBA]  }
0x3d: {  	_ =	shalt  }
0x3e: {  	_ =	shalt  }
0x3f: {  	_ =	shalt  }
0x40: {  	_ =	shalt  }
0x41: {  	_ =	shalt  }
0x42: {  	_ =	shalt  }
0x43: {  	_ =	shalt  }
0x44: {  	_ =	shalt  }
0x45: {  	_ =	shalt  }
0x46: {  	_ =	shalt  }
0x47: {  	_ =	shalt  }
0x48: {  	_ =	shalt  }
0x49: {  	_ =	shalt  }
0x4a: {  	_ =	shalt  }
0x4b: {  	_ =	shalt  }
0x4c: {  	_ =	shalt  }
0x4d: {  	_ =	shalt  }
0x4e: {  	_ =	shalt  }
0x4f: {  	_ =	shalt  }
0x50: {  	_ =	shalt  }
0x51: {  	_ =	shalt  }
0x52: {  	_ =	shalt  }
0x53: {  	_ =	shalt  }
0x54: {  	_ =	shalt  }
0x55: {  	_ =	shalt  }
0x56: {  	_ =	shalt  }
0x57: {  	_ =	shalt  }
0x58: {  	_ =	shalt  }
0x59: {  	_ =	shalt  }
0x5a: {  	_ =	shalt  }
0x5b: {  	_ =	shalt  }
0x5c: {  	_ =	shalt  }
0x5d: {  	_ =	shalt  }
0x5e: {  	_ =	shalt  }
0x5f: {  	_ =	shalt  }
0x60: {  	_ =	shalt  }
0x61: {  	_ =	shalt  }
0x62: {  	_ =	shalt  }
0x63: {  	_ =	shalt  }
0x64: {  	_ =	shalt  }
0x65: {  	_ =	shalt  }
0x66: {  	_ =	shalt  }
0x67: {  	_ =	shalt  }
0x68: {  	_ =	shalt  }
0x69: {  	_ =	shalt  }
0x6a: {  	_ =	shalt  }
0x6b: {  	_ =	shalt  }
0x6c: {  	_ =	shalt  }
0x6d: {  	_ =	shalt  }
0x6e: {  	_ =	shalt  }
0x6f: {  	_ =	shalt  }
0x70: {  	_ =	shalt  }
0x71: {  	_ =	shalt  }
0x72: {  	_ =	shalt  }
0x73: {  	_ =	shalt  }
0x74: {  	_ =	shalt  }
0x75: {  	_ =	shalt  }
0x76: {  	_ =	shalt  }
0x77: {  	_ =	shalt  }
0x78: {  	_ =	shalt  }
0x79: {  	_ =	shalt  }
0x7a: {  	_ =	shalt  }
0x7b: {  	_ =	shalt  }
0x7c: {  	_ =	shalt  }
0x7d: {  	_ =	shalt  }
0x7e: {  	_ =	shalt  }
0x7f: {  	_ =	shalt  }
0x80: {  	_ =	shalt  }
0x81: {  	_ =	shalt  }
0x82: {  	_ =	shalt  }
0x83: {  	_ =	shalt  }
0x84: {  	_ =	shalt  }
0x85: {  	_ =	shalt  }
0x86: {  	_ =	shalt  }
0x87: {  	_ =	shalt  }
.Lfunc_end0:
.L_simem_size_0:
called_computation_lowered:
.L_overlay_start_0:
0x88: {  	s2 =	sld [smem:$0x3FD9]  }
0x89: {  	s3 =	sld [smem:$0x3FFE];
	_ =	sdelay $0x1  }
0x8a: {  	s1 =	srdreg.scid  }
0x8b: {  	s0 =	sand.u32 $0x1, s1  }
0x8c: {  	s17 =	sshll.u32 s0, $0xA;
	s2 =	sadd.s32 s3, s2  }
0x8d: {  	s2 =	sadd.s32 s2, s17  }
0x8e: {  	[smem:$0x3FC6] =	sst s2  }
0x8f: {  	_ = 	snop  }
0x90: {  	s2 =	sld [smem:$0x3FC9]  }
0x91: {  	s18 =	sld [smem:$0x3FC8];
	(tm) =	ssettm $0x1  }
0x92: {  	s4 =	sld [smem:$0x3FFB];
	_ =	sdelay $0x3  }
0x93: {  	_ =	strace s4  }
0x94: {  	s4 =	sld [smem:$0x3FFC];
	_ =	sdelay $0x3  }
0x95: {  	_ =	strace s4  }
0x96: {  	s4 =	sld [smem:$0x3FFD];
	_ =	sdelay $0x3  }
0x97: {  	_ =	strace s4  }
0x98: {  	_ =	strace $0x8FFFFFFF  }
0x99: {  	s19 =	sld [smem:$0x3FDB];
	_ =	sdelay $0x1  }
0x9a: {  	s5 =	simm.s32 $_scs_section_size  }
0x9b: {  	s6 =	simm.s32 $_size__tile_overlayer_lowered;
	s7 =	simm.s32 $_tile_overlayer_lowered  }
0x9c: {  	s22 =	simm.s32 $0x1BFF;
	s21 =	sshll.u32 s7, $0x1;
	s4 =	sadd.s32 s5, s19  }
0x9d: {  	s8 =	simm.s32 $0x0;
	s20 =	sshll.u32 s6, $0x1;
	s6 =	sadd.s32 s21, s4  }
0x9e: {  	[timem:s8], [sflag:s22] =	dma.local [hbm:s6], s20  }
0x9f: {  	_ =	swait.ge [sflag:s22], s20  }
0xa0: {  	s5 =	ssub.s32 $0x0, s20;
	[sflag:s22] =	ssyncset.done $0x0  }
0xa1: {  	[sflag:s22] =	ssyncadd.s32 s5;
	_ =	sdelay $0x1  }
0xa2: {  	s23 =	simm.s32 $0x1B8B  }
0xa3: {  	_ =	swait.ge [sflag:s23], $0x1  }
0xa4: {  	[sflag:s23] =	ssyncset.done $0x0  }
0xa5: {  	s25 =	simm.s32 $0x1B8E;
	s24 =	sld [smem:$0x3FFE];
	[sflag:s23] =	ssyncadd.s32 $0xFFFFFFFF  }
0xa6: {  	s26 =	simm.s32 $execute0_lowered;
	[smem:$0x3FD2] =	sst s25  }
0xa7: {  	s6 =	sshll.u32 s26, $0x1;
	_ =	strace $0x80000046;
	[dreg:$0x1] =	wrdreg $0xFFFFFFFF  }
0xa8: {  	s28 =	simm.s32 $_size_execute0_lowered;
	s4 =	sadd.s32 s4, s6;
	[dreg:$0x0] =	wrdreg $0x0  }
0xa9: {  	s6 =	sshll.u32 s28, $0x1;
	[dreg:$0x2] =	wrdreg s4  }
0xaa: {  	[dreg:$0x3] =	wrdreg s6  }
0xab: {  	[dreg:$0x4] =	wrdreg $0xC0  }
0xac: {  	_ =	task [dreg:s8], $0x5FFFF  }
0xad: {  	[dreg:$0x1] =	wrdreg $0xFFFFFFFF  }
0xae: {  	[dreg:$0x0] =	wrdreg $0x60  }
0xaf: {  	[dreg:$0x2] =	wrdreg s2  }
0xb0: {  	[dreg:$0x3] =	wrdreg s18  }
0xb1: {  	[dreg:$0x4] =	wrdreg s24  }
0xb2: {  	[dreg:$0x5] =	wrdreg $0x9  }
0xb3: {  	_ =	task.clear_ibuf [dreg:s8], $0x6FFFF;
	_ =	strace $0x90000046  }
0xb4: {  	s29 =	simm.s32 $0x9;
	_ =	strace $0x80000048  }
0xb5: {  	_ =	swait.ge [sflag:s29], $0x1  }
0xb6: {  	[sflag:s29] =	ssyncadd.s32 $0xFFFFFFFF  }
0xb7: {  	_ =	strace $0x90000048  }
0xb8: {  	_ =	sfence  }
0xb9: {  	s30 =	sld [smem:$0x0];
	_ =	sdelay $0x2  }
0xba: {  	s31 =	sshll.u32 s1, $0xD;
	s1 =	sshrl.u32 s1, $0x2  }
0xbb: {  	s3 =	sand.u32 $0x4000, s31;
	s1 =	sadd.s32 s1, s30  }
0xbc: {  	s0 =	sor.u32 s3, s0;
	s1 =	sshll.u32 s1, $0x11  }
0xbd: {  	s0 =	sor.u32 s1, s0  }
0xbe: {  	s0 =	sadd.s32 $0x8F2B, s0  }
0xbf: {  	[sflag:s0] =	ssyncadd.remote.s32 $0x1  }
0xc0: {  	_ =	sfence.sel $0xFFFF  }
0xc1: {  	[dreg:$0x0] =	wrdreg $0xFFFFFFFF;
	(pc) =	sbr.abs _section_cstart, $3  }
0xc2: {  	[dreg:$0x1] =	wrdreg $0xFFFFFFFF  }
0xc3: {  	_ =	task.clear_ibuf [dreg:s8], $0x2FFFF;
	_ =	strace $0x9FFFFFFF  }
0xc4: {  	(tm) =	ssettm $0x7FFFFFFF  }
0xc5: {  	_ =	shalt  }
tec
execute0_lowered:
.L_overlay_start_1:
0x0: {  	(tag) =	ssettag $0x1  }
0x1: {  	s1 =	rddreg [dreg:$0x0]  }
0x2: {  	s2 =	rddreg [dreg:$0x1]  }
0x3: {  	s9 =	rddreg [dreg:$0x2]  }
0x4: {  	s0 =	rddreg [dreg:$0x3];
	s5 =	srdreg.scid  }
0x5: {  	s4 =	simm.s32 $0x0;
	s3 =	stileid.u32;
	s12 =	simm.s32 $0x1  }
0x6: {  	s13 =	simm.s32 $0x2;
	s14 =	simm.s32 $0x10000;
	s15 =	simm.s32 $0x3  }
0x7: {  	s16 =	simm.s32 $0x0;
	s5 =	sand.u32 $0x1, s5;
	s7 =	sshll.u32 s3, $0x1  }
0x8: {  	[smem:$0x7FF] =	sst s4;
	s6 =	ssub.s32 $0x2, s5;
	s10 =	sor.u32 s5, s7  }
0x9: {  	_ =	strace $0x80000047;
	s8 =	sshrl.u32 s6, $0x1;
	s5 =	sshll.u32 s10, $0x13  }
0xa: {  	s31 =	sshll.u32 s10, $0x10;
	s10 =	sshll.u32 s10, $0x6;
	s11 =	ssub.s32 s6, s8  }
0xb: {  	s6 =	sadd.s32 s1, s31;
	s7 =	sor.u32 $0x10000, s5;
	s8 =	sadd.s32 s2, s31  }
0xc: {  	s9 =	sadd.s32 s9, s10;
	s10 =	smax.u32 s11, $0x1;
	s11 =	simm.s32 $0x8000  }
.LBB2_1:
0xd: {  	[tilespmem:s4], [sflag:$0x1] =	stream.linear.gather [hbm4b:s6+s4], $0x8000, $0x38;
	[tilespmem:$0x10200] =	vst v63  }
0xe: {  	v2 =	vimm.f32 $+Inf;
	v1 =	vimm.f32 $-Inf;
	s17 =	simm.s32 $0x0  }
.LBB2_2:
0xf: {  	s18 =	sshll.u32 s17, $0x10  }
0x10: {  	s19 =	sor.u32 s18, s5  }
0x11: {  	s19 =	sshrl.u32 s19, $0x3  }
0x12: {  	s19 =	sadd.s32 s19, s1  }
0x13: {  	s19 =	sadd.s32 $0x1000, s19  }
0x14: {  	[tilespmem:s11], [sflag:$0x2] =	stream.linear.gather [hbm4b:s19+s4], $0x8000, $0x38;
	[tilespmem:$0x10200] =	vst v63  }
0x15: {  	_ =	swait.ge [sflag:s12], $0x8000  }
0x16: {  	[sflag:s12] =	ssyncset.done $0x0  }
0x17: {  	s20 =	simm.s32 $0x40;
	[sflag:s12] =	ssyncadd.s32 $0xFFFF8000  }
0x18: {  	v4 =	vld [tilespmem:s20+$0xFFFFFFC0]  }
0x19: {  	v5 =	vld [tilespmem:s20+$0xFFFFFFD0]  }
0x1a: {  	v6 =	vld [tilespmem:s20+$0xFFFFFFE0]  }
0x1b: {  	v3 =	vld [tilespmem:s20+$0xFFFFFFF0]  }
0x1c: {  	v0 =	vld [tilespmem:s20+$0x0]  }
0x1d: {  	v2 =	vmin.f32 v2, v4;
	v4 =	vmax.f32 v1, v4;
	v1 =	vld [tilespmem:s20+$0x10]  }
0x1e: {  	v7 =	vmin.f32 v2, v5;
	v4 =	vmax.f32 v4, v5;
	v2 =	vld [tilespmem:s20+$0x20]  }
0x1f: {  	s19 =	simm.s32 $0x0;
	v5 =	vmin.f32 v7, v6;
	v6 =	vmax.f32 v4, v6;
	v4 =	vld [tilespmem:s20+$0x30];
	s20 =	simm.s32 $0xC0  }
.LBB2_3:
0x20: {  	v7 =	vld [tilespmem:s20+$0xFFFFFFC0];
	s19 =	sadd.s32 $0x8, s19;
	v5 =	vmin.f32 v5, v3;
	v3 =	vmax.f32 v6, v3  }
0x21: {  	v6 =	vld [tilespmem:s20+$0xFFFFFFD0];
	p0 =	slt.u32 s19, $0x7F8;
	v5 =	vmin.f32 v5, v0;
	v0 =	vmax.f32 v3, v0  }
0x22: {  	v8 =	vld [tilespmem:s20+$0xFFFFFFE0];
	v5 =	vmin.f32 v5, v1;
	v0 =	vmax.f32 v0, v1  }
.Ltmp0:
0x23: {  	v3 =	vld [tilespmem:s20+$0xFFFFFFF0];
	v1 =	vmin.f32 v5, v2;
	v2 =	vmax.f32 v0, v2;
	(pc) =	sbr.rel @p0 .LBB2_3-.Ltmp0, $4  }
0x24: {  	v0 =	vld [tilespmem:s20+$0x0];
	v1 =	vmin.f32 v1, v4;
	v2 =	vmax.f32 v2, v4  }
0x25: {  	v4 =	vmin.f32 v1, v7;
	v2 =	vmax.f32 v2, v7;
	v1 =	vld [tilespmem:s20+$0x10]  }
0x26: {  	v4 =	vmin.f32 v4, v6;
	v6 =	vmax.f32 v2, v6;
	v2 =	vld [tilespmem:s20+$0x20]  }
0x27: {  	v5 =	vmin.f32 v4, v8;
	v6 =	vmax.f32 v6, v8;
	v4 =	vld [tilespmem:s20+$0x30];
	s20 =	sadd.s32 $0x80, s20  }
0x28: {  	p0 =	seq.s32 s17, $0x7  }
0x29: {  	s18 =	sadd.s32 @!p0 s18, s7  }
0x2a: {  	s18 =	sshrl.u32 @!p0 s18, $0x3  }
0x2b: {  	s19 =	simm.s32 @!p0 $0x0;
	s18 =	sadd.s32 @!p0 s1, s18  }
0x2c: {  	[tilespmem:s19], [sflag:$0x1] =	stream.linear.gather @!p0 [hbm4b:s18+s19], $0x8000, $0x38;
	[tilespmem:$0x10200] =	vst v63  }
0x2d: {  	_ =	swait.ge [sflag:s13], $0x8000  }
0x2e: {  	[sflag:s13] =	ssyncset.done $0x0  }
0x2f: {  	s31 =	simm.s32 $0x8040;
	[sflag:s13] =	ssyncadd.s32 $0xFFFF8000  }
0x30: {  	v5 =	vmin.f32 v5, v3;
	v3 =	vmax.f32 v6, v3;
	v6 =	vld [tilespmem:s31+$0xFFFFFFC0]  }
0x31: {  	v5 =	vmin.f32 v5, v0;
	v0 =	vmax.f32 v3, v0;
	v3 =	vld [tilespmem:s31+$0xFFFFFFD0]  }
0x32: {  	v5 =	vmin.f32 v5, v1;
	v0 =	vmax.f32 v0, v1;
	v7 =	vld [tilespmem:s31+$0xFFFFFFE0]  }
0x33: {  	v1 =	vmin.f32 v5, v2;
	v2 =	vmax.f32 v0, v2;
	v0 =	vld [tilespmem:s31+$0xFFFFFFF0]  }
0x34: {  	v5 =	vmin.f32 v1, v4;
	v2 =	vmax.f32 v2, v4;
	v1 =	vld [tilespmem:s31+$0x0]  }
0x35: {  	v4 =	vmin.f32 v5, v6;
	v5 =	vmax.f32 v2, v6;
	v2 =	vld [tilespmem:s31+$0x10]  }
0x36: {  	v4 =	vmin.f32 v4, v3;
	v6 =	vmax.f32 v5, v3;
	v3 =	vld [tilespmem:s31+$0x20]  }
0x37: {  	s18 =	simm.s32 $0x0;
	s19 =	simm.s32 $0x80C0;
	v5 =	vmin.f32 v4, v7;
	v6 =	vmax.f32 v6, v7;
	v4 =	vld [tilespmem:s31+$0x30]  }
.LBB2_5:
0x38: {  	v7 =	vld [tilespmem:s19+$0xFFFFFFC0];
	s18 =	sadd.s32 $0x8, s18;
	v5 =	vmin.f32 v5, v0;
	v0 =	vmax.f32 v6, v0  }
0x39: {  	v6 =	vld [tilespmem:s19+$0xFFFFFFD0];
	p0 =	slt.u32 s18, $0x7F8;
	v5 =	vmin.f32 v5, v1;
	v0 =	vmax.f32 v0, v1  }
0x3a: {  	v8 =	vld [tilespmem:s19+$0xFFFFFFE0];
	v1 =	vmin.f32 v5, v2;
	v2 =	vmax.f32 v0, v2  }
.Ltmp1:
0x3b: {  	v0 =	vld [tilespmem:s19+$0xFFFFFFF0];
	v5 =	vmin.f32 v1, v3;
	v2 =	vmax.f32 v2, v3;
	(pc) =	sbr.rel @p0 .LBB2_5-.Ltmp1, $4  }
0x3c: {  	v1 =	vld [tilespmem:s19+$0x0];
	v3 =	vmin.f32 v5, v4;
	v2 =	vmax.f32 v2, v4  }
0x3d: {  	v3 =	vmin.f32 v3, v7;
	v4 =	vmax.f32 v2, v7;
	v2 =	vld [tilespmem:s19+$0x10]  }
0x3e: {  	v5 =	vmin.f32 v3, v6;
	v4 =	vmax.f32 v4, v6;
	v3 =	vld [tilespmem:s19+$0x20]  }
0x3f: {  	v5 =	vmin.f32 v5, v8;
	v6 =	vmax.f32 v4, v8;
	v4 =	vld [tilespmem:s19+$0x30];
	s19 =	sadd.s32 $0x80, s19  }
0x40: {  	s17 =	sadd.s32 $0x1, s17  }
0x41: {  	p0 =	sne.s32 s17, $0x8  }
.Ltmp2:
0x42: {  	v5 =	vmin.f32 v5, v0;
	v0 =	vmax.f32 v6, v0;
	(pc) =	sbr.rel @p0 .LBB2_2-.Ltmp2, $4  }
0x43: {  	v5 =	vmin.f32 v5, v1;
	v0 =	vmax.f32 v0, v1  }
0x44: {  	v1 =	vmin.f32 v5, v2;
	v0 =	vmax.f32 v0, v2  }
0x45: {  	v1 =	vmin.f32 v1, v3;
	v0 =	vmax.f32 v0, v3  }
0x46: {  	v2 =	vmin.f32 v1, v4;
	v1 =	vmax.f32 v0, v4  }
0x47: {  	[tilespmem:$0x10000] =	vst v2  }
0x48: {  	[tilespmem:$0x10080] =	vst v1;
	s17 =	simm.s32 $0x0  }
0x49: {  	v2 =	vimm.f32 $+Inf;
	v1 =	vimm.f32 $-Inf;
	[tilespmem:s17], [sflag:$0x1] =	stream.linear.gather [hbm4b:s8+s17], $0x8000, $0x38;
	[tilespmem:$0x10200] =	vst v63  }
.LBB2_8:
0x4a: {  	s18 =	sshll.u32 s17, $0x10  }
0x4b: {  	s19 =	sor.u32 s18, s5  }
0x4c: {  	s19 =	sshrl.u32 s19, $0x3  }
0x4d: {  	s19 =	sadd.s32 s19, s2  }
0x4e: {  	s19 =	sadd.s32 $0x1000, s19  }
0x4f: {  	[tilespmem:s11], [sflag:$0x2] =	stream.linear.gather [hbm4b:s19+s4], $0x8000, $0x38;
	[tilespmem:$0x10200] =	vst v63  }
0x50: {  	_ =	swait.ge [sflag:s12], $0x8000  }
0x51: {  	[sflag:s12] =	ssyncset.done $0x0  }
0x52: {  	s20 =	simm.s32 $0x40;
	[sflag:s12] =	ssyncadd.s32 $0xFFFF8000  }
0x53: {  	v4 =	vld [tilespmem:s20+$0xFFFFFFC0]  }
0x54: {  	v5 =	vld [tilespmem:s20+$0xFFFFFFD0]  }
0x55: {  	v6 =	vld [tilespmem:s20+$0xFFFFFFE0]  }
0x56: {  	v3 =	vld [tilespmem:s20+$0xFFFFFFF0]  }
0x57: {  	v0 =	vld [tilespmem:s20+$0x0]  }
0x58: {  	v2 =	vmin.f32 v2, v4;
	v4 =	vmax.f32 v1, v4;
	v1 =	vld [tilespmem:s20+$0x10]  }
0x59: {  	v7 =	vmin.f32 v2, v5;
	v4 =	vmax.f32 v4, v5;
	v2 =	vld [tilespmem:s20+$0x20]  }
0x5a: {  	s19 =	simm.s32 $0x0;
	v5 =	vmin.f32 v7, v6;
	v6 =	vmax.f32 v4, v6;
	v4 =	vld [tilespmem:s20+$0x30];
	s20 =	simm.s32 $0xC0  }
.LBB2_9:
0x5b: {  	v7 =	vld [tilespmem:s20+$0xFFFFFFC0];
	s19 =	sadd.s32 $0x8, s19;
	v5 =	vmin.f32 v5, v3;
	v3 =	vmax.f32 v6, v3  }
0x5c: {  	v6 =	vld [tilespmem:s20+$0xFFFFFFD0];
	p0 =	slt.u32 s19, $0x7F8;
	v5 =	vmin.f32 v5, v0;
	v0 =	vmax.f32 v3, v0  }
0x5d: {  	v8 =	vld [tilespmem:s20+$0xFFFFFFE0];
	v5 =	vmin.f32 v5, v1;
	v0 =	vmax.f32 v0, v1  }
.Ltmp3:
0x5e: {  	v3 =	vld [tilespmem:s20+$0xFFFFFFF0];
	v1 =	vmin.f32 v5, v2;
	v2 =	vmax.f32 v0, v2;
	(pc) =	sbr.rel @p0 .LBB2_9-.Ltmp3, $4  }
0x5f: {  	v0 =	vld [tilespmem:s20+$0x0];
	v1 =	vmin.f32 v1, v4;
	v2 =	vmax.f32 v2, v4  }
0x60: {  	v4 =	vmin.f32 v1, v7;
	v2 =	vmax.f32 v2, v7;
	v1 =	vld [tilespmem:s20+$0x10]  }
0x61: {  	v4 =	vmin.f32 v4, v6;
	v6 =	vmax.f32 v2, v6;
	v2 =	vld [tilespmem:s20+$0x20]  }
0x62: {  	v5 =	vmin.f32 v4, v8;
	v6 =	vmax.f32 v6, v8;
	v4 =	vld [tilespmem:s20+$0x30];
	s20 =	sadd.s32 $0x80, s20  }
0x63: {  	p0 =	seq.s32 s17, $0x7  }
0x64: {  	s18 =	sadd.s32 @!p0 s18, s7  }
0x65: {  	s18 =	sshrl.u32 @!p0 s18, $0x3  }
0x66: {  	s19 =	simm.s32 @!p0 $0x0;
	s18 =	sadd.s32 @!p0 s2, s18  }
0x67: {  	[tilespmem:s19], [sflag:$0x1] =	stream.linear.gather @!p0 [hbm4b:s18+s19], $0x8000, $0x38;
	[tilespmem:$0x10200] =	vst v63  }
0x68: {  	_ =	swait.ge [sflag:s13], $0x8000  }
0x69: {  	[sflag:s13] =	ssyncset.done $0x0  }
0x6a: {  	s31 =	simm.s32 $0x8040;
	[sflag:s13] =	ssyncadd.s32 $0xFFFF8000  }
0x6b: {  	v5 =	vmin.f32 v5, v3;
	v3 =	vmax.f32 v6, v3;
	v6 =	vld [tilespmem:s31+$0xFFFFFFC0]  }
0x6c: {  	v5 =	vmin.f32 v5, v0;
	v0 =	vmax.f32 v3, v0;
	v3 =	vld [tilespmem:s31+$0xFFFFFFD0]  }
0x6d: {  	v5 =	vmin.f32 v5, v1;
	v0 =	vmax.f32 v0, v1;
	v7 =	vld [tilespmem:s31+$0xFFFFFFE0]  }
0x6e: {  	v1 =	vmin.f32 v5, v2;
	v2 =	vmax.f32 v0, v2;
	v0 =	vld [tilespmem:s31+$0xFFFFFFF0]  }
0x6f: {  	v5 =	vmin.f32 v1, v4;
	v2 =	vmax.f32 v2, v4;
	v1 =	vld [tilespmem:s31+$0x0]  }
0x70: {  	v4 =	vmin.f32 v5, v6;
	v5 =	vmax.f32 v2, v6;
	v2 =	vld [tilespmem:s31+$0x10]  }
0x71: {  	v4 =	vmin.f32 v4, v3;
	v6 =	vmax.f32 v5, v3;
	v3 =	vld [tilespmem:s31+$0x20]  }
0x72: {  	s18 =	simm.s32 $0x0;
	s19 =	simm.s32 $0x80C0;
	v5 =	vmin.f32 v4, v7;
	v6 =	vmax.f32 v6, v7;
	v4 =	vld [tilespmem:s31+$0x30]  }
.LBB2_11:
0x73: {  	v7 =	vld [tilespmem:s19+$0xFFFFFFC0];
	s18 =	sadd.s32 $0x8, s18;
	v5 =	vmin.f32 v5, v0;
	v0 =	vmax.f32 v6, v0  }
0x74: {  	v6 =	vld [tilespmem:s19+$0xFFFFFFD0];
	p0 =	slt.u32 s18, $0x7F8;
	v5 =	vmin.f32 v5, v1;
	v0 =	vmax.f32 v0, v1  }
0x75: {  	v8 =	vld [tilespmem:s19+$0xFFFFFFE0];
	v1 =	vmin.f32 v5, v2;
	v2 =	vmax.f32 v0, v2  }
.Ltmp4:
0x76: {  	v0 =	vld [tilespmem:s19+$0xFFFFFFF0];
	v5 =	vmin.f32 v1, v3;
	v2 =	vmax.f32 v2, v3;
	(pc) =	sbr.rel @p0 .LBB2_11-.Ltmp4, $4  }
0x77: {  	v1 =	vld [tilespmem:s19+$0x0];
	v3 =	vmin.f32 v5, v4;
	v2 =	vmax.f32 v2, v4  }
0x78: {  	v3 =	vmin.f32 v3, v7;
	v4 =	vmax.f32 v2, v7;
	v2 =	vld [tilespmem:s19+$0x10]  }
0x79: {  	v5 =	vmin.f32 v3, v6;
	v4 =	vmax.f32 v4, v6;
	v3 =	vld [tilespmem:s19+$0x20]  }
0x7a: {  	v5 =	vmin.f32 v5, v8;
	v6 =	vmax.f32 v4, v8;
	v4 =	vld [tilespmem:s19+$0x30];
	s19 =	sadd.s32 $0x80, s19  }
0x7b: {  	s17 =	sadd.s32 $0x1, s17  }
0x7c: {  	p0 =	sne.s32 s17, $0x8  }
.Ltmp5:
0x7d: {  	v5 =	vmin.f32 v5, v0;
	v0 =	vmax.f32 v6, v0;
	(pc) =	sbr.rel @p0 .LBB2_8-.Ltmp5, $4  }
0x7e: {  	v5 =	vmin.f32 v5, v1;
	v0 =	vmax.f32 v0, v1  }
0x7f: {  	v1 =	vmin.f32 v5, v2;
	v0 =	vmax.f32 v0, v2  }
0x80: {  	v1 =	vmin.f32 v1, v3;
	v0 =	vmax.f32 v0, v3  }
0x81: {  	v2 =	vmin.f32 v1, v4;
	v1 =	vmax.f32 v0, v4  }
0x82: {  	s16 =	sadd.s32 $0x1, s16  }
0x83: {  	[tilespmem:$0x10100] =	vst v2;
	p0 =	sne.s32 s16, s10  }
.Ltmp6:
0x84: {  	[tilespmem:$0x10180] =	vst v1;
	(pc) =	sbr.rel @p0 .LBB2_1-.Ltmp6, $4  }
0x85: {  	[hbm4b:s9+s4] =	stream.linear.scatter [tilespmem:s14], [sflag:$0x3], $0x200, $0x38;
	[tilespmem:$0x10200] =	vst v63  }
0x86: {  	_ =	swait.ge [sflag:s15], $0x200  }
0x87: {  	[sflag:s15] =	ssyncset.done $0x0  }
0x88: {  	[sflag:s15] =	ssyncadd.s32 $0xFFFFFE00  }
0x89: {  	_ =	sfence.sel $0x180000  }
0x8a: {  	[bflag:$0x0] =	sbarrier.arrive $0xFFFF  }
0x8b: {  	p0 =	sne.s32 s3, $0x0;
	_ =	strace $0x90000047  }
0x8c: {  	s0 =	sadd.s32 @!p0 $0x100000, s0;
	[bflag:$0x2] =	sbarrier.arrive $0xFFFF  }
0x8d: {  	[sflag:s0] =	ssyncadd.tile.s32 @!p0 $0x1;
	_ =	shalt  }
.Lfunc_end2:
_tile_overlayer_lowered:
.L_overlay_start_2:
0x8e: {  	(tag) =	ssettag $0x2  }
0x8f: {  	s0 =	rddreg [dreg:$0x0];
	s2 =	stileid.u32  }
0x90: {  	s1 =	rddreg [dreg:$0x1];
	p0 =	sne.s32 s2, $0x0  }
0x91: {  	s3 =	rddreg [dreg:$0x2];
	[bflag:$0x3] =	sbarrier.arrive $0xFFFF;
	s2 =	simm.s32 @!p0 $0x1C03  }
0x92: {  	[timem:s3], [sflag:s2] =	dma.local @!p0 [hbm:s0], s1  }
0x93: {  	s0 =	simm.s32 @!p0 $0x3  }
0x94: {  	_ =	swait.ge @!p0 [sflag:s0], s1  }
0x95: {  	s1 =	ssub.s32 @!p0 $0x0, s1;
	[sflag:s0] =	ssyncset.done @!p0 $0x0  }
0x96: {  	[sflag:s0] =	ssyncadd.s32 @!p0 s1  }
0x97: {  	[bflag:$0x3] =	sbarrier.arrive $0xFFFF  }
0x98: {  	_ =	shalt  }

// kernel: kernel.8.cloned.1.call-start
scs
__scs_entry_jumppad:
0x0: {  	(pc) =	sbr.rel $0x88, $3  }
0x1: {  	(tag) =	ssettag $0x0;
	lr =	simm.s32 $0x1  }
0x2: {  	[smem:$0x3F9F] =	sst lr;
	_ =	strace $0xD0000000  }
0x3: {  	_ = 	snop  }
0x4: {  	_ = 	snop  }
0x5: {  	_ = 	snop  }
0x6: {  	_ = 	snop  }
0x7: {  	_ = 	snop  }
__scs_overlays_trampoline_lowered:
0x8: {  	[smem:$0x3FAE] =	sst s0  }
0x9: {  	[smem:$0x3FAF] =	sst s1  }
0xa: {  	[smem:$0x3FB0] =	sst s2  }
0xb: {  	[smem:$0x3FB1] =	sst s3  }
0xc: {  	[smem:$0x3FB2] =	sst s4  }
0xd: {  	[smem:$0x3FB3] =	sst s5  }
0xe: {  	[smem:$0x3FB4] =	sst s6  }
0xf: {  	[smem:$0x3FB5] =	sst s7  }
0x10: {  	[smem:$0x3FB6] =	sst s8  }
0x11: {  	[smem:$0x3FB7] =	sst s9;
	s0 =	simm.s32 @!p0 $0x0  }
0x12: {  	s1 =	sld [smem:$0x3F9D];
	s0 =	simm.s32 @p0 $0x1  }
0x13: {  	[smem:$0x3FB8] =	sst s0;
	s0 =	simm.s32 @!p1 $0x0  }
0x14: {  	s2 =	sld [smem:$0x3F9C];
	s0 =	simm.s32 @p1 $0x1  }
0x15: {  	[smem:$0x3FB9] =	sst s0;
	s0 =	simm.s32 @!p2 $0x0  }
0x16: {  	s3 =	sld [smem:$0x3FDB];
	s0 =	simm.s32 @p2 $0x1  }
0x17: {  	s4 =	simm.s32 $0x1BF5;
	[smem:$0x3FBB] =	sst s0  }
0x18: {  	s0 =	sld [smem:$0x3F9E];
	_ =	swait.ge [sflag:s4], $0x0  }
0x19: {  	s7 =	sld [smem:$0x3F9F]  }
0x1a: {  	s8 =	sadd.s32 $0xFFFFE003, lr  }
0x1b: {  	s9 =	sadd.s32 $0xFFFFFEF7, lr;
	s5 =	simm.s32 $0xFFFFFFFF;
	p2 =	slt.u32 s8, $0xFFFFF086  }
0x1c: {  	p1 =	slt.u32 s9, $0xF7A;
	s5 =	simm.s32 @!p2 $0x0  }
0x1d: {  	s5 =	simm.s32 @p1 $0x1;
	p0 =	seq.s32 s7, s2  }
0x1e: {  	s7 =	smul.u32 @!p0 $0xF7A, s2;
	p2 =	seq.s32 @!p0 s5, $0x0  }
0x1f: {  	s9 =	smul.u32 $0xF7A, s1;
	s8 =	simm.s32 @!p0 $0x1BF5;
	p2 =	por !p2, p0  }
0x20: {  	[sflag:s8] =	ssyncset.s32 @!p0 $0xFFFFF086;
	s6 =	sadd.s32 @!p0 s3, s7;
	s7 =	simm.s32 @!p0 $0x108  }
0x21: {  	s3 =	sadd.s32 s3, s9;
	s6 =	sadd.s32 @!p0 $0x88, s6;
	s7 =	simm.s32 @p2 $0x1082  }
0x22: {  	[simem:s7], [sflag:s8] =	dma.local @!p0 [hbm:s6], $0xF7A  }
0x23: {  	s9 =	sor.u32 $0xD0000000, s2;
	s6 =	simm.s32 $0x108;
	_ =	swait.ge @!p0 [sflag:s8], $0x0  }
0x24: {  	s3 =	sadd.s32 $0x88, s3;
	s6 =	simm.s32 @!p1 $0x1082;
	[sflag:s4] =	ssyncset.s32 $0xFFFFF086  }
0x25: {  	[simem:s6], [sflag:s4] =	dma.local [hbm:s3], $0xF7A  }
0x26: {  	[smem:$0x3F9F] =	sst s1;
	(tag) =	ssettag s2;
	_ =	strace s9  }
0x27: {  	s1 =	sld [smem:$0x3FAF]  }
0x28: {  	s2 =	sld [smem:$0x3FB0]  }
0x29: {  	s4 =	sld [smem:$0x3FB2]  }
0x2a: {  	p0 =	seq.s32 s5, $0x0;
	s5 =	sld [smem:$0x3FB3]  }
0x2b: {  	s6 =	sld [smem:$0x3FB4]  }
0x2c: {  	s7 =	sld [smem:$0x3FB5]  }
0x2d: {  	s3 =	simm.s32 $0x108;
	s8 =	sld [smem:$0x3FB6]  }
0x2e: {  	s3 =	simm.s32 @!p0 $0x1082;
	s9 =	sld [smem:$0x3FB7]  }
0x2f: {  	lr =	sadd.s32 s0, s3;
	s0 =	sld [smem:$0x3FAE]  }
0x30: {  	s3 =	sld [smem:$0x3FB1]  }
0x31: {  	[smem:$0x3FBA] =	sst s10  }
0x32: {  	s10 =	sld [smem:$0x3FB8];
	_ =	sdelay $0x3  }
0x33: {  	p0 =	seq.s32 s10, $0x1;
	s10 =	sld [smem:$0x3FBA];
	_ =	sdelay $0x3  }
0x34: {  	[smem:$0x3FBA] =	sst s10  }
0x35: {  	s10 =	sld [smem:$0x3FB9];
	_ =	sdelay $0x3  }
0x36: {  	p1 =	seq.s32 s10, $0x1;
	s10 =	sld [smem:$0x3FBA];
	_ =	sdelay $0x3  }
0x37: {  	[smem:$0x3FBA] =	sst s10  }
0x38: {  	s10 =	sld [smem:$0x3FBB]  }
0x39: {  	_ = 	snop;
	(pc) =	sbr.ind lr, $3  }
0x3a: {  	_ = 	snop  }
0x3b: {  	_ = 	snop  }
0x3c: {  	p2 =	seq.s32 s10, $0x1;
	s10 =	sld [smem:$0x3FBA]  }
0x3d: {  	_ =	shalt  }
0x3e: {  	_ =	shalt  }
0x3f: {  	_ =	shalt  }
0x40: {  	_ =	shalt  }
0x41: {  	_ =	shalt  }
0x42: {  	_ =	shalt  }
0x43: {  	_ =	shalt  }
0x44: {  	_ =	shalt  }
0x45: {  	_ =	shalt  }
0x46: {  	_ =	shalt  }
0x47: {  	_ =	shalt  }
0x48: {  	_ =	shalt  }
0x49: {  	_ =	shalt  }
0x4a: {  	_ =	shalt  }
0x4b: {  	_ =	shalt  }
0x4c: {  	_ =	shalt  }
0x4d: {  	_ =	shalt  }
0x4e: {  	_ =	shalt  }
0x4f: {  	_ =	shalt  }
0x50: {  	_ =	shalt  }
0x51: {  	_ =	shalt  }
0x52: {  	_ =	shalt  }
0x53: {  	_ =	shalt  }
0x54: {  	_ =	shalt  }
0x55: {  	_ =	shalt  }
0x56: {  	_ =	shalt  }
0x57: {  	_ =	shalt  }
0x58: {  	_ =	shalt  }
0x59: {  	_ =	shalt  }
0x5a: {  	_ =	shalt  }
0x5b: {  	_ =	shalt  }
0x5c: {  	_ =	shalt  }
0x5d: {  	_ =	shalt  }
0x5e: {  	_ =	shalt  }
0x5f: {  	_ =	shalt  }
0x60: {  	_ =	shalt  }
0x61: {  	_ =	shalt  }
0x62: {  	_ =	shalt  }
0x63: {  	_ =	shalt  }
0x64: {  	_ =	shalt  }
0x65: {  	_ =	shalt  }
0x66: {  	_ =	shalt  }
0x67: {  	_ =	shalt  }
0x68: {  	_ =	shalt  }
0x69: {  	_ =	shalt  }
0x6a: {  	_ =	shalt  }
0x6b: {  	_ =	shalt  }
0x6c: {  	_ =	shalt  }
0x6d: {  	_ =	shalt  }
0x6e: {  	_ =	shalt  }
0x6f: {  	_ =	shalt  }
0x70: {  	_ =	shalt  }
0x71: {  	_ =	shalt  }
0x72: {  	_ =	shalt  }
0x73: {  	_ =	shalt  }
0x74: {  	_ =	shalt  }
0x75: {  	_ =	shalt  }
0x76: {  	_ =	shalt  }
0x77: {  	_ =	shalt  }
0x78: {  	_ =	shalt  }
0x79: {  	_ =	shalt  }
0x7a: {  	_ =	shalt  }
0x7b: {  	_ =	shalt  }
0x7c: {  	_ =	shalt  }
0x7d: {  	_ =	shalt  }
0x7e: {  	_ =	shalt  }
0x7f: {  	_ =	shalt  }
0x80: {  	_ =	shalt  }
0x81: {  	_ =	shalt  }
0x82: {  	_ =	shalt  }
0x83: {  	_ =	shalt  }
0x84: {  	_ =	shalt  }
0x85: {  	_ =	shalt  }
0x86: {  	_ =	shalt  }
0x87: {  	_ =	shalt  }
.Lfunc_end0:
.L_simem_size_0:
called_computation.1_lowered:
.L_overlay_start_0:
0x88: {  	s2 =	sld [smem:$0x3FD9]  }
0x89: {  	s3 =	sld [smem:$0x3FFE];
	_ =	sdelay $0x1  }
0x8a: {  	s1 =	srdreg.scid  }
0x8b: {  	s0 =	sand.u32 $0x1, s1  }
0x8c: {  	s17 =	sshll.u32 s0, $0xA;
	s2 =	sadd.s32 s3, s2  }
0x8d: {  	s2 =	sadd.s32 s2, s17  }
0x8e: {  	[smem:$0x3FC6] =	sst s2  }
0x8f: {  	_ = 	snop  }
0x90: {  	s2 =	sld [smem:$0x3FC8];
	(tm) =	ssettm $0x1  }
0x91: {  	s18 =	sld [smem:$0x3FFB];
	_ =	sdelay $0x3  }
0x92: {  	_ =	strace s18  }
0x93: {  	s3 =	sld [smem:$0x3FFC];
	_ =	sdelay $0x3  }
0x94: {  	_ =	strace s3  }
0x95: {  	s3 =	sld [smem:$0x3FFD];
	_ =	sdelay $0x3  }
0x96: {  	_ =	strace s3  }
0x97: {  	_ =	strace $0x8FFFFFFF  }
0x98: {  	s19 =	sld [smem:$0x3FDB];
	_ =	sdelay $0x1  }
0x99: {  	s4 =	simm.s32 $_scs_section_size  }
0x9a: {  	s5 =	simm.s32 $_size__tile_overlayer_lowered;
	s6 =	simm.s32 $_tile_overlayer_lowered  }
0x9b: {  	s22 =	simm.s32 $0x1BFF;
	s21 =	sshll.u32 s6, $0x1;
	s3 =	sadd.s32 s4, s19  }
0x9c: {  	s7 =	simm.s32 $0x0;
	s20 =	sshll.u32 s5, $0x1;
	s5 =	sadd.s32 s21, s3  }
0x9d: {  	[timem:s7], [sflag:s22] =	dma.local [hbm:s5], s20  }
0x9e: {  	_ =	swait.ge [sflag:s22], s20  }
0x9f: {  	s4 =	ssub.s32 $0x0, s20;
	[sflag:s22] =	ssyncset.done $0x0  }
0xa0: {  	[sflag:s22] =	ssyncadd.s32 s4;
	_ =	sdelay $0x1  }
0xa1: {  	s23 =	simm.s32 $0x1B8B  }
0xa2: {  	_ =	swait.ge [sflag:s23], $0x1  }
0xa3: {  	[sflag:s23] =	ssyncset.done $0x0  }
0xa4: {  	s25 =	simm.s32 $0x1B8E;
	s24 =	sld [smem:$0x3FFE];
	[sflag:s23] =	ssyncadd.s32 $0xFFFFFFFF  }
0xa5: {  	s26 =	simm.s32 $execute0_lowered;
	[smem:$0x3FD2] =	sst s25  }
0xa6: {  	s5 =	sshll.u32 s26, $0x1;
	_ =	strace $0x80000049;
	[dreg:$0x1] =	wrdreg $0xFFFFFFFF  }
0xa7: {  	s28 =	simm.s32 $_size_execute0_lowered;
	s3 =	sadd.s32 s3, s5;
	[dreg:$0x0] =	wrdreg $0x0  }
0xa8: {  	s5 =	sshll.u32 s28, $0x1;
	[dreg:$0x2] =	wrdreg s3  }
0xa9: {  	[dreg:$0x3] =	wrdreg s5  }
0xaa: {  	[dreg:$0x4] =	wrdreg $0xC0  }
0xab: {  	_ =	task [dreg:s7], $0x5FFFF  }
0xac: {  	[dreg:$0x1] =	wrdreg $0xFFFFFFFF  }
0xad: {  	[dreg:$0x0] =	wrdreg $0x60  }
0xae: {  	[dreg:$0x2] =	wrdreg s2  }
0xaf: {  	[dreg:$0x3] =	wrdreg s24  }
0xb0: {  	[dreg:$0x4] =	wrdreg $0x9  }
0xb1: {  	_ =	task.clear_ibuf [dreg:s7], $0x5FFFF;
	_ =	strace $0x90000049  }
0xb2: {  	s29 =	simm.s32 $0x9;
	_ =	strace $0x8000004B  }
0xb3: {  	_ =	swait.ge [sflag:s29], $0x1  }
0xb4: {  	[sflag:s29] =	ssyncadd.s32 $0xFFFFFFFF  }
0xb5: {  	_ =	strace $0x9000004B  }
0xb6: {  	_ =	sfence  }
0xb7: {  	s30 =	sld [smem:$0x0];
	_ =	sdelay $0x2  }
0xb8: {  	s31 =	sshll.u32 s1, $0xD;
	s1 =	sshrl.u32 s1, $0x2  }
0xb9: {  	s3 =	sand.u32 $0x4000, s31;
	s1 =	sadd.s32 s1, s30  }
0xba: {  	s0 =	sor.u32 s3, s0;
	s1 =	sshll.u32 s1, $0x11  }
0xbb: {  	s0 =	sor.u32 s1, s0  }
0xbc: {  	s0 =	sadd.s32 $0x8F2B, s0  }
0xbd: {  	[sflag:s0] =	ssyncadd.remote.s32 $0x1  }
0xbe: {  	_ =	sfence.sel $0xFFFF  }
0xbf: {  	[dreg:$0x0] =	wrdreg $0xFFFFFFFF;
	(pc) =	sbr.abs _section_cstart, $3  }
0xc0: {  	[dreg:$0x1] =	wrdreg $0xFFFFFFFF  }
0xc1: {  	_ =	task.clear_ibuf [dreg:s7], $0x2FFFF;
	_ =	strace $0x9FFFFFFF  }
0xc2: {  	(tm) =	ssettm $0x7FFFFFFF  }
0xc3: {  	_ =	shalt  }
tec
execute0_lowered:
.L_overlay_start_1:
0x0: {  	(tag) =	ssettag $0x1  }
0x1: {  	s1 =	rddreg [dreg:$0x0]  }
0x2: {  	s7 =	rddreg [dreg:$0x1]  }
0x3: {  	s0 =	rddreg [dreg:$0x2];
	s3 =	simm.s32 $0x0  }
0x4: {  	s4 =	srdreg.scid;
	s2 =	stileid.u32;
	s13 =	simm.s32 $0x3  }
0x5: {  	s14 =	simm.s32 $0x10200;
	s15 =	simm.s32 $0x10280;
	s16 =	simm.s32 $0x8000  }
0x6: {  	s17 =	simm.s32 $0x1;
	s18 =	simm.s32 $0x10300;
	s19 =	simm.s32 $0x2  }
0x7: {  	s20 =	simm.s32 $0x0;
	[smem:$0x7FF] =	sst s3;
	s5 =	sand.u32 $0x1, s4  }
0x8: {  	s6 =	sshll.u32 s2, $0x1;
	s4 =	sadd.s32 $0x400, s7;
	_ =	strace $0x8000004A  }
0x9: {  	s6 =	sor.u32 s5, s6;
	s8 =	ssub.s32 $0x2, s5;
	s5 =	sadd.s32 $0x200, s7  }
0xa: {  	s9 =	sshll.u32 s6, $0x8;
	s10 =	sshrl.u32 s8, $0x1;
	s31 =	sshll.u32 s6, $0x10  }
0xb: {  	s6 =	sshll.u32 s6, $0x13;
	s11 =	sadd.s32 s9, s7;
	s12 =	ssub.s32 s8, s10  }
0xc: {  	v0 =	vimm.f32 $0.0e+00;
	s7 =	sadd.s32 $0x210, s7;
	s8 =	sadd.s32 s1, s31;
	s9 =	sor.u32 $0x10000, s6  }
0xd: {  	v1 =	vimm.s32 $0x0;
	v2 =	vlaneseq.u32;
	v3 =	vimm.f32 $1.000000000e+00;
	s10 =	sadd.s32 $0x600, s11;
	s11 =	smax.u32 s12, $0x1;
	s12 =	simm.s32 $0x10000  }
.LBB2_1:
0xe: {  	[tilespmem:s12], [sflag:$0x3] =	stream.linear.gather [hbm4b:s4+s3], $0x200, $0x38;
	[tilespmem:$0x10B00] =	vst v63  }
0xf: {  	_ =	swait.ge [sflag:s13], $0x200  }
0x10: {  	[sflag:s13] =	ssyncset.done $0x0  }
0x11: {  	[sflag:s13] =	ssyncadd.s32 $0xFFFFFE00  }
0x12: {  	[tilespmem:s14], [sflag:$0x3] =	stream.linear.gather [hbm4b:s5+s3], $0x80, $0x38;
	[tilespmem:$0x10B00] =	vst v63  }
0x13: {  	_ =	swait.ge [sflag:s13], $0x80  }
0x14: {  	[sflag:s13] =	ssyncset.done $0x0  }
0x15: {  	[sflag:s13] =	ssyncadd.s32 $0xFFFFFF80  }
0x16: {  	[tilespmem:s15], [sflag:$0x3] =	stream.linear.gather [hbm4b:s7+s3], $0x80, $0x38;
	[tilespmem:$0x10B00] =	vst v63  }
0x17: {  	_ =	swait.ge [sflag:s13], $0x80  }
0x18: {  	[sflag:s13] =	ssyncset.done $0x0  }
0x19: {  	[sflag:s13] =	ssyncadd.s32 $0xFFFFFF80  }
0x1a: {  	[tilespmem:$0x10300] =	vst v0  }
0x1b: {  	[tilespmem:$0x10380] =	vst v0  }
0x1c: {  	[tilespmem:$0x10400] =	vst v0  }
0x1d: {  	[tilespmem:$0x10480] =	vst v0  }
0x1e: {  	[tilespmem:$0x10500] =	vst v0  }
0x1f: {  	[tilespmem:$0x10580] =	vst v0  }
0x20: {  	[tilespmem:$0x10600] =	vst v0  }
0x21: {  	[tilespmem:$0x10680] =	vst v0  }
0x22: {  	[tilespmem:$0x10700] =	vst v0  }
0x23: {  	[tilespmem:$0x10780] =	vst v0  }
0x24: {  	[tilespmem:$0x10800] =	vst v0  }
0x25: {  	[tilespmem:$0x10880] =	vst v0  }
0x26: {  	[tilespmem:$0x10900] =	vst v0  }
0x27: {  	[tilespmem:$0x10980] =	vst v0  }
0x28: {  	v4 =	vld [tilespmem:$0x10000];
	[tilespmem:$0x10A00] =	vst v0  }
0x29: {  	s21 =	simm.s32 $0x0;
	v5 =	vld [tilespmem:$0x10080];
	[tilespmem:$0x10A80] =	vst v0  }
0x2a: {  	v6 =	vld [tilespmem:$0x10100];
	[tilespmem:s3], [sflag:$0x1] =	stream.linear.gather [hbm4b:s8+s3], $0x8000, $0x38  }
.LBB2_2:
0x2b: {  	s22 =	sshll.u32 s21, $0x10  }
0x2c: {  	s23 =	sor.u32 s22, s6  }
0x2d: {  	s23 =	sshrl.u32 s23, $0x3  }
0x2e: {  	s23 =	sadd.s32 s23, s1  }
0x2f: {  	s23 =	sadd.s32 $0x1000, s23  }
0x30: {  	[tilespmem:s16], [sflag:$0x2] =	stream.linear.gather [hbm4b:s23+s3], $0x8000, $0x38;
	[tilespmem:$0x10B00] =	vst v63  }
0x31: {  	_ =	swait.ge [sflag:s17], $0x8000  }
0x32: {  	[sflag:s17] =	ssyncset.done $0x0  }
0x33: {  	s30 =	simm.s32 $0x40;
	[sflag:s17] =	ssyncadd.s32 $0xFFFF8000  }
0x34: {  	v7 =	vld [tilespmem:s30+$0x30]  }
0x35: {  	v8 =	vld [tilespmem:s30+$0xFFFFFFD0]  }
0x36: {  	v10 =	vld [tilespmem:s30+$0xFFFFFFE0]  }
0x37: {  	v17 =	vld [tilespmem:s30+$0xFFFFFFF0]  }
0x38: {  	v9 =	vld [tilespmem:s30+$0xFFFFFFC0]  }
0x39: {  	v16 =	vld [tilespmem:s30+$0x0]  }
0x3a: {  	v14 =	vld [tilespmem:s30+$0x20];
	_ =	sdelay $0x1  }
0x3b: {  	v15 =	vld [tilespmem:s30+$0x10];
	v11 =	vsub.f32 v7, v4  }
0x3c: {  	v12 =	vsub.f32 v8, v4;
	v13 =	vsub.f32 v10, v4  }
0x3d: {  	v18 =	vsub.f32 v17, v4;
	v19 =	vsub.f32 v9, v4;
	v11 =	vmul.f32 v11, v5  }
0x3e: {  	v20 =	vsub.f32 v16, v4;
	v22 =	vsub.f32 v14, v4  }
0x3f: {  	v12 =	vmul.f32 v12, v5;
	v13 =	vmul.f32 v13, v5;
	v11 =	vadd.f32 v11, v6  }
0x40: {  	v21 =	vsub.f32 v15, v4;
	v19 =	vmul.f32 v19, v5;
	v18 =	vmul.f32 v18, v5  }
0x41: {  	v22 =	vmul.f32 v22, v5;
	v12 =	vadd.f32 v12, v6;
	v11 =	vtrunc.f32 v11  }
0x42: {  	v20 =	vmul.f32 v20, v5;
	v19 =	vadd.f32 v19, v6;
	v11 =	vcvt.f32.s32 v11  }
0x43: {  	v21 =	vmul.f32 v21, v5;
	v22 =	vadd.f32 v22, v6;
	v12 =	vtrunc.f32 v12  }
0x44: {  	v13 =	vadd.f32 v13, v6;
	v19 =	vtrunc.f32 v19;
	v12 =	vcvt.f32.s32 v12  }
0x45: {  	v18 =	vadd.f32 v18, v6;
	v22 =	vtrunc.f32 v22;
	v19 =	vcvt.f32.s32 v19  }
0x46: {  	v20 =	vadd.f32 v20, v6;
	v13 =	vtrunc.f32 v13;
	v22 =	vcvt.f32.s32 v22  }
0x47: {  	v18 =	vtrunc.f32 v18;
	v13 =	vcvt.f32.s32 v13  }
0x48: {  	v21 =	vadd.f32 v21, v6;
	v20 =	vtrunc.f32 v20;
	v18 =	vcvt.f32.s32 v18;
	v23 =	vld.idx.msk [tilespmem:v11+s15+$0x0], $0xffff  }
0x49: {  	v20 =	vcvt.f32.s32 v20;
	v24 =	vld.idx.msk [tilespmem:v11+s14+$0x0], $0xffff  }
0x4a: {  	v21 =	vtrunc.f32 v21;
	v25 =	vld.idx.msk [tilespmem:v12+s15+$0x0], $0xffff  }
0x4b: {  	v21 =	vcvt.f32.s32 v21;
	v26 =	vld.idx.msk [tilespmem:v19+s15+$0x0], $0xffff  }
0x4c: {  	v28 =	vld.idx.msk [tilespmem:v22+s15+$0x0], $0xffff  }
0x4d: {  	vm0 =	vge.f32 v7, v23;
	v23 =	vld.idx.msk [tilespmem:v13+s15+$0x0], $0xffff  }
0x4e: {  	v27 =	vsel vm0, $0x1, v1;
	vm0 =	vlt.f32 v7, v24;
	v7 =	vld.idx.msk [tilespmem:v18+s15+$0x0], $0xffff  }
0x4f: {  	v11 =	vadd.s32 v27, v11;
	v24 =	vsel vm0, $0xFFFFFFFF, v1;
	v27 =	vld.idx.msk [tilespmem:v20+s15+$0x0], $0xffff  }
0x50: {  	v30 =	vld.idx.msk [tilespmem:v12+s14+$0x0], $0xffff;
	v11 =	vadd.s32 v24, v11  }
0x51: {  	vm1 =	vge.f32 v9, v26;
	vm0 =	vge.f32 v8, v25;
	v24 =	vld.idx.msk [tilespmem:v21+s15+$0x0], $0xffff;
	v11 =	vshll.u32 v11, $0x7  }
0x52: {  	v26 =	vsel vm1, $0x1, v1;
	v25 =	vld.idx.msk [tilespmem:v19+s14+$0x0], $0xffff;
	v29 =	vor.u32 v2, v11;
	v11 =	vsel vm0, $0x1, v1  }
0x53: {  	s31 =	simm.s32 $0xC0;
	v19 =	vadd.s32 v26, v19;
	v26 =	vld.idx.msk [tilespmem:v13+s14+$0x0], $0xffff;
	vm0 =	vge.f32 v10, v23;
	v23 =	vadd.s32 v11, v12  }
0x54: {  	v11 =	vsel vm0, $0x1, v1;
	vm0 =	vge.f32 v17, v7;
	vm1 =	vge.f32 v16, v27;
	v27 =	vld [tilespmem:s31+$0x30]  }
0x55: {  	v31 =	vadd.s32 v11, v13;
	v7 =	vsel vm0, $0x1, v1;
	v11 =	vld [tilespmem:s31+$0xFFFFFFD0]  }
0x56: {  	v12 =	vsel vm1, $0x1, v1;
	vm0 =	vge.f32 v15, v24;
	v24 =	vadd.s32 v7, v18;
	v18 =	vld.idx.msk [tilespmem:v18+s14+$0x0], $0xffff  }
0x57: {  	v32 =	vadd.s32 v12, v20;
	v12 =	vld [tilespmem:s31+$0xFFFFFFE0]  }
0x58: {  	v7 =	vsel vm0, $0x1, v1;
	v20 =	vld.idx.msk [tilespmem:v20+s14+$0x0], $0xffff  }
0x59: {  	vm1 =	vlt.f32 v9, v25;
	vm0 =	vge.f32 v14, v28;
	v25 =	vadd.s32 v7, v21;
	v7 =	vld [tilespmem:s31+$0xFFFFFFF0]  }
0x5a: {  	v13 =	vsel vm1, $0xFFFFFFFF, v1;
	v9 =	vsel vm0, $0x1, v1;
	vm0 =	vlt.f32 v8, v30;
	v8 =	vld [tilespmem:s31+$0x0]  }
0x5b: {  	v13 =	vadd.s32 v13, v19;
	v21 =	vld.idx.msk [tilespmem:v21+s14+$0x0], $0xffff;
	v28 =	vadd.s32 v9, v22;
	v19 =	vsel vm0, $0xFFFFFFFF, v1  }
0x5c: {  	v9 =	vld [tilespmem:s31+$0x10];
	vm0 =	vlt.f32 v10, v26;
	v33 =	vshll.u32 v13, $0x7;
	v26 =	vsub.f32 v27, v4  }
0x5d: {  	v10 =	vld [tilespmem:s31+$0x20];
	v30 =	vsub.f32 v11, v4;
	v19 =	vadd.s32 v19, v23;
	v23 =	vsel vm0, $0xFFFFFFFF, v1  }
0x5e: {  	v13 =	vld [tilespmem:s31+$0xFFFFFFC0];
	v23 =	vadd.s32 v23, v31;
	vm0 =	vlt.f32 v17, v18;
	v59 =	vshll.u32 v19, $0x7  }
0x5f: {  	v22 =	vld.idx.msk [tilespmem:v22+s14+$0x0], $0xffff;
	v34 =	vsub.f32 v12, v4;
	v26 =	vmul.f32 v26, v5;
	v30 =	vmul.f32 v30, v5  }
0x60: {  	v38 =	vshll.u32 v23, $0x7;
	vm1 =	vlt.f32 v16, v20;
	v31 =	vsub.f32 v7, v4  }
0x61: {  	v35 =	vsub.f32 v8, v4;
	vm2 =	vlt.f32 v15, v21;
	v26 =	vadd.f32 v26, v6  }
0x62: {  	v34 =	vmul.f32 v34, v5;
	v30 =	vadd.f32 v30, v6;
	v36 =	vsub.f32 v9, v4  }
0x63: {  	v37 =	vsub.f32 v10, v4;
	v17 =	vsub.f32 v13, v4;
	v26 =	vtrunc.f32 v26  }
0x64: {  	vm3 =	vlt.f32 v14, v22;
	v14 =	vsel vm0, $0xFFFFFFFF, v1;
	v26 =	vcvt.f32.s32 v26  }
0x65: {  	v21 =	vsel vm2, $0xFFFFFFFF, v1;
	v31 =	vmul.f32 v31, v5;
	v35 =	vmul.f32 v35, v5  }
0x66: {  	v22 =	vsel vm3, $0xFFFFFFFF, v1;
	v14 =	vadd.s32 v14, v24;
	v17 =	vmul.f32 v17, v5  }
0x67: {  	v18 =	vmul.f32 v36, v5;
	v34 =	vadd.f32 v34, v6;
	v58 =	vmul.f32 v37, v5  }
0x68: {  	v30 =	vtrunc.f32 v30;
	v31 =	vadd.f32 v31, v6;
	v17 =	vadd.f32 v17, v6  }
0x69: {  	v35 =	vadd.f32 v35, v6;
	v30 =	vcvt.f32.s32 v30;
	v34 =	vtrunc.f32 v34  }
0x6a: {  	v18 =	vadd.f32 v18, v6;
	v31 =	vtrunc.f32 v31;
	v17 =	vtrunc.f32 v17;
	v23 =	vld.idx.msk [tilespmem:v26+s15+$0x0], $0xffff  }
0x6b: {  	v36 =	vadd.f32 v58, v6;
	v35 =	vtrunc.f32 v35;
	v39 =	vcvt.f32.s32 v17;
	v15 =	vld.idx.msk [tilespmem:v26+s14+$0x0], $0xffff  }
0x6c: {  	v21 =	vadd.s32 v21, v25;
	v34 =	vcvt.f32.s32 v34;
	v18 =	vtrunc.f32 v18  }
0x6d: {  	v24 =	vor.u32 v2, v33;
	v36 =	vtrunc.f32 v36;
	v20 =	vcvt.f32.s32 v31  }
0x6e: {  	[tilespmem:v29+s18+$0x0] =	vst.idx.add.f32.msk $0xffff, v3;
	v22 =	vadd.s32 v22, v28;
	v19 =	vcvt.f32.s32 v35;
	v18 =	vcvt.f32.s32 v18  }
0x6f: {  	v16 =	vcvt.f32.s32 v36;
	v17 =	vsel vm1, $0xFFFFFFFF, v1;
	v25 =	vld.idx.msk [tilespmem:v30+s15+$0x0], $0xffff;
	vm0 =	vge.f32 v27, v23  }
0x70: {  	v17 =	vadd.s32 v17, v32;
	v32 =	vld.idx.msk [tilespmem:v30+s14+$0x0], $0xffff;
	v23 =	vsel vm0, $0x1, v1;
	vm0 =	vlt.f32 v27, v15  }
0x71: {  	v28 =	vld.idx.msk [tilespmem:v39+s15+$0x0], $0xffff;
	v15 =	vshll.u32 v17, $0x7;
	v17 =	vadd.s32 v23, v26;
	v23 =	vsel vm0, $0xFFFFFFFF, v1  }
0x72: {  	v14 =	vshll.u32 v14, $0x7;
	v61 =	vshll.u32 v22, $0x7;
	v27 =	vld.idx.msk [tilespmem:v34+s15+$0x0], $0xffff;
	v17 =	vadd.s32 v23, v17  }
0x73: {  	v22 =	vor.u32 v2, v38;
	v60 =	vld.idx.msk [tilespmem:v20+s15+$0x0], $0xffff;
	v26 =	vshll.u32 v21, $0x7;
	v17 =	vshll.u32 v17, $0x7  }
0x74: {  	v62 =	vld.idx.msk [tilespmem:v19+s15+$0x0], $0xffff;
	v21 =	vor.u32 v2, v14;
	vm0 =	vge.f32 v11, v25;
	v63 =	vor.u32 v2, v17  }
0x75: {  	v31 =	vld.idx.msk [tilespmem:v18+s15+$0x0], $0xffff;
	v14 =	vor.u32 v2, v61;
	v23 =	vor.u32 v2, v59;
	v25 =	vsel vm0, $0x1, v1  }
0x76: {  	v29 =	vld.idx.msk [tilespmem:v16+s15+$0x0], $0xffff;
	vm1 =	vge.f32 v13, v28;
	v17 =	vor.u32 v2, v15;
	v15 =	vor.u32 v2, v26  }
0x77: {  	v33 =	vld.idx.msk [tilespmem:v39+s14+$0x0], $0xffff;
	v28 =	vsel vm1, $0x1, v1;
	v26 =	vadd.s32 v25, v30;
	vm0 =	vge.f32 v12, v27  }
0x78: {  	v30 =	vld.idx.msk [tilespmem:v34+s14+$0x0], $0xffff;
	v28 =	vadd.s32 v28, v39;
	v25 =	vsel vm0, $0x1, v1;
	vm0 =	vge.f32 v7, v60  }
0x79: {  	s24 =	simm.s32 $0x140;
	s23 =	simm.s32 $0x8;
	v27 =	vadd.s32 v25, v34;
	v34 =	vsel vm0, $0x1, v1;
	vm0 =	vge.f32 v8, v62;
	[tilespmem:v63+s18+$0x0] =	vst.idx.add.f32.msk $0xffff, v3  }
.LBB2_3:
0x7a: {  	v25 =	vld [tilespmem:s24+$0x30];
	s23 =	sadd.s32 $0x8, s23;
	v34 =	vadd.s32 v34, v20;
	v35 =	vsel vm0, $0x1, v1;
	vm0 =	vge.f32 v9, v31  }
0x7b: {  	v31 =	vld [tilespmem:s24+$0xFFFFFFD0];
	p0 =	slt.u32 s23, $0x7F8;
	v35 =	vadd.s32 v35, v19;
	v36 =	vsel vm0, $0x1, v1;
	vm0 =	vge.f32 v10, v29  }
0x7c: {  	vm1 =	vlt.f32 v13, v33;
	v29 =	vld [tilespmem:s24+$0xFFFFFFE0];
	v33 =	vadd.s32 v36, v18;
	v13 =	vsel vm0, $0x1, v1  }
0x7d: {  	v37 =	vsel vm1, $0xFFFFFFFF, v1;
	vm0 =	vlt.f32 v11, v32;
	v36 =	vld [tilespmem:s24+$0xFFFFFFF0];
	v32 =	vadd.s32 v13, v16  }
0x7e: {  	v40 =	vadd.s32 v37, v28;
	v13 =	vsel vm0, $0xFFFFFFFF, v1;
	vm0 =	vlt.f32 v12, v30;
	v38 =	vld [tilespmem:s24+$0x0]  }
0x7f: {  	v26 =	vadd.s32 v13, v26;
	v13 =	vsel vm0, $0xFFFFFFFF, v1;
	v28 =	vld [tilespmem:s24+$0x10];
	v41 =	vsub.f32 v25, v4  }
0x80: {  	v39 =	vshll.u32 v40, $0x7;
	v27 =	vadd.s32 v13, v27;
	v30 =	vsub.f32 v31, v4;
	v37 =	vld [tilespmem:s24+$0x20];
	v11 =	vmovc v31  }
0x81: {  	v26 =	vshll.u32 v26, $0x7;
	v13 =	vld [tilespmem:s24+$0xFFFFFFC0];
	v31 =	vsub.f32 v29, v4;
	v40 =	vmul.f32 v41, v5;
	v12 =	vmovc v29  }
0x82: {  	v27 =	vshll.u32 v27, $0x7;
	v29 =	vmul.f32 v30, v5;
	v30 =	vsub.f32 v36, v4;
	v20 =	vld.idx.msk [tilespmem:v20+s14+$0x0], $0xffff  }
0x83: {  	v31 =	vmul.f32 v31, v5;
	v41 =	vsub.f32 v38, v4;
	v40 =	vadd.f32 v40, v6;
	v19 =	vld.idx.msk [tilespmem:v19+s14+$0x0], $0xffff  }
0x84: {  	v29 =	vadd.f32 v29, v6;
	v30 =	vmul.f32 v30, v5;
	v42 =	vsub.f32 v28, v4;
	v18 =	vld.idx.msk [tilespmem:v18+s14+$0x0], $0xffff  }
0x85: {  	v41 =	vmul.f32 v41, v5;
	v43 =	vsub.f32 v37, v4;
	v40 =	vtrunc.f32 v40;
	v16 =	vld.idx.msk [tilespmem:v16+s14+$0x0], $0xffff  }
0x86: {  	v44 =	vsub.f32 v13, v4;
	v42 =	vmul.f32 v42, v5;
	v40 =	vcvt.f32.s32 v40;
	[tilespmem:v24+s18+$0x0] =	vst.idx.add.f32.msk $0xffff, v3  }
0x87: {  	v24 =	vadd.f32 v31, v6;
	v30 =	vadd.f32 v30, v6;
	v31 =	vmul.f32 v43, v5  }
0x88: {  	v41 =	vadd.f32 v41, v6;
	v43 =	vmul.f32 v44, v5;
	v42 =	vadd.f32 v42, v6  }
0x89: {  	v29 =	vtrunc.f32 v29;
	v24 =	vtrunc.f32 v24;
	v31 =	vadd.f32 v31, v6;
	[tilespmem:v23+s18+$0x0] =	vst.idx.add.f32.msk $0xffff, v3  }
0x8a: {  	v30 =	vtrunc.f32 v30;
	v41 =	vtrunc.f32 v41;
	v23 =	vadd.f32 v43, v6;
	[tilespmem:v22+s18+$0x0] =	vst.idx.add.f32.msk $0xffff, v3  }
0x8b: {  	vm0 =	vlt.f32 v7, v20;
	v7 =	vmovc v36;
	v22 =	vtrunc.f32 v42;
	v31 =	vtrunc.f32 v31;
	[tilespmem:v21+s18+$0x0] =	vst.idx.add.f32.msk $0xffff, v3  }
0x8c: {  	v36 =	vcvt.f32.s32 v29;
	vm1 =	vlt.f32 v8, v19;
	v8 =	vmovc v38;
	v20 =	vtrunc.f32 v23;
	v21 =	vld.idx.msk [tilespmem:v40+s15+$0x0], $0xffff  }
0x8d: {  	vm2 =	vlt.f32 v9, v18;
	v9 =	vmovc v28;
	v42 =	vcvt.f32.s32 v24;
	v38 =	vcvt.f32.s32 v20;
	v23 =	vld.idx.msk [tilespmem:v40+s14+$0x0], $0xffff  }
0x8e: {  	v19 =	vcvt.f32.s32 v41;
	vm3 =	vlt.f32 v10, v16;
	v10 =	vmovc v37;
	v20 =	vcvt.f32.s32 v30;
	[tilespmem:v17+s18+$0x0] =	vst.idx.add.f32.msk $0xffff, v3  }
0x8f: {  	v18 =	vcvt.f32.s32 v22;
	v16 =	vcvt.f32.s32 v31;
	v17 =	vsel vm0, $0xFFFFFFFF, v1;
	[tilespmem:v15+s18+$0x0] =	vst.idx.add.f32.msk $0xffff, v3  }
0x90: {  	v22 =	vsel vm2, $0xFFFFFFFF, v1;
	v24 =	vsel vm3, $0xFFFFFFFF, v1;
	v15 =	vsel vm1, $0xFFFFFFFF, v1;
	[tilespmem:v14+s18+$0x0] =	vst.idx.add.f32.msk $0xffff, v3  }
0x91: {  	v14 =	vadd.s32 v17, v34;
	v15 =	vadd.s32 v15, v35;
	v17 =	vadd.s32 v22, v33  }
0x92: {  	vm0 =	vge.f32 v25, v21;
	v14 =	vshll.u32 v14, $0x7;
	v21 =	vadd.s32 v24, v32;
	v28 =	vld.idx.msk [tilespmem:v36+s15+$0x0], $0xffff  }
0x93: {  	v15 =	vshll.u32 v15, $0x7;
	v22 =	vsel vm0, $0x1, v1;
	vm0 =	vlt.f32 v25, v23;
	v30 =	vld.idx.msk [tilespmem:v38+s15+$0x0], $0xffff  }
0x94: {  	v32 =	vshll.u32 v17, $0x7;
	v22 =	vadd.s32 v22, v40;
	v23 =	vsel vm0, $0xFFFFFFFF, v1;
	v25 =	vld.idx.msk [tilespmem:v42+s15+$0x0], $0xffff  }
0x95: {  	v24 =	vor.u32 v2, v39;
	v33 =	vshll.u32 v21, $0x7;
	v17 =	vadd.s32 v23, v22;
	v34 =	vld.idx.msk [tilespmem:v20+s15+$0x0], $0xffff  }
0x96: {  	v23 =	vor.u32 v2, v26;
	v22 =	vor.u32 v2, v27;
	v17 =	vshll.u32 v17, $0x7;
	v35 =	vld.idx.msk [tilespmem:v19+s15+$0x0], $0xffff  }
0x97: {  	v21 =	vor.u32 v2, v14;
	v37 =	vor.u32 v2, v17;
	v17 =	vor.u32 v2, v15;
	v31 =	vld.idx.msk [tilespmem:v18+s15+$0x0], $0xffff  }
.Ltmp0:
0x98: {  	v14 =	vor.u32 v2, v33;
	v15 =	vor.u32 v2, v32;
	vm0 =	vge.f32 v11, v28;
	v29 =	vld.idx.msk [tilespmem:v16+s15+$0x0], $0xffff;
	(pc) =	sbr.rel @p0 .LBB2_3-.Ltmp0, $4  }
0x99: {  	vm1 =	vge.f32 v13, v30;
	v26 =	vsel vm0, $0x1, v1;
	v33 =	vld.idx.msk [tilespmem:v38+s14+$0x0], $0xffff  }
0x9a: {  	v27 =	vsel vm1, $0x1, v1;
	v26 =	vadd.s32 v26, v36;
	vm0 =	vge.f32 v12, v25;
	v32 =	vld.idx.msk [tilespmem:v36+s14+$0x0], $0xffff  }
0x9b: {  	v28 =	vadd.s32 v27, v38;
	v25 =	vsel vm0, $0x1, v1;
	vm0 =	vge.f32 v7, v34;
	v30 =	vld.idx.msk [tilespmem:v42+s14+$0x0], $0xffff  }
0x9c: {  	s24 =	sadd.s32 $0x80, s24;
	v27 =	vadd.s32 v25, v42;
	v34 =	vsel vm0, $0x1, v1;
	vm0 =	vge.f32 v8, v35;
	[tilespmem:v37+s18+$0x0] =	vst.idx.add.f32.msk $0xffff, v3  }
0x9d: {  	_ =	sdelay $0x3  }
0x9e: {  	v25 =	vsel vm0, $0x1, v1;
	vm0 =	vge.f32 v9, v31;
	v31 =	vld.idx.msk [tilespmem:v20+s14+$0x0], $0xffff  }
0x9f: {  	v20 =	vadd.s32 v34, v20;
	v25 =	vadd.s32 v25, v19;
	v54 =	vsel vm0, $0x1, v1;
	v19 =	vld.idx.msk [tilespmem:v19+s14+$0x0], $0xffff  }
0xa0: {  	vm0 =	vge.f32 v10, v29;
	vm1 =	vlt.f32 v13, v33;
	v13 =	vadd.s32 v54, v18;
	v18 =	vld.idx.msk [tilespmem:v18+s14+$0x0], $0xffff  }
0xa1: {  	v29 =	vsel vm0, $0x1, v1;
	v33 =	vsel vm1, $0xFFFFFFFF, v1;
	vm0 =	vlt.f32 v11, v32;
	v11 =	vld.idx.msk [tilespmem:v16+s14+$0x0], $0xffff  }
0xa2: {  	v16 =	vadd.s32 v29, v16;
	v29 =	vsel vm0, $0xFFFFFFFF, v1;
	vm0 =	vlt.f32 v12, v30  }
0xa3: {  	v12 =	vadd.s32 v33, v28;
	v26 =	vadd.s32 v29, v26;
	v28 =	vsel vm0, $0xFFFFFFFF, v1  }
0xa4: {  	v12 =	vshll.u32 v12, $0x7;
	v27 =	vadd.s32 v28, v27;
	v26 =	vshll.u32 v26, $0x7  }
0xa5: {  	[tilespmem:v24+s18+$0x0] =	vst.idx.add.f32.msk $0xffff, v3;
	vm0 =	vlt.f32 v7, v31;
	v27 =	vshll.u32 v27, $0x7;
	vm1 =	vlt.f32 v8, v19  }
0xa6: {  	[tilespmem:v23+s18+$0x0] =	vst.idx.add.f32.msk $0xffff, v3;
	v7 =	vsel vm0, $0xFFFFFFFF, v1;
	vm2 =	vlt.f32 v9, v18;
	vm3 =	vlt.f32 v10, v11  }
0xa7: {  	[tilespmem:v22+s18+$0x0] =	vst.idx.add.f32.msk $0xffff, v3;
	v8 =	vsel vm1, $0xFFFFFFFF, v1;
	v10 =	vor.u32 v2, v12;
	v7 =	vadd.s32 v7, v20  }
0xa8: {  	[tilespmem:v17+s18+$0x0] =	vst.idx.add.f32.msk $0xffff, v3;
	v12 =	vor.u32 v2, v26;
	v17 =	vor.u32 v2, v27;
	v9 =	vsel vm2, $0xFFFFFFFF, v1  }
0xa9: {  	[tilespmem:v21+s18+$0x0] =	vst.idx.add.f32.msk $0xffff, v3;
	v11 =	vsel vm3, $0xFFFFFFFF, v1;
	v8 =	vadd.s32 v8, v25;
	v7 =	vshll.u32 v7, $0x7  }
0xaa: {  	[tilespmem:v15+s18+$0x0] =	vst.idx.add.f32.msk $0xffff, v3;
	v9 =	vadd.s32 v9, v13;
	v8 =	vshll.u32 v8, $0x7;
	v7 =	vor.u32 v2, v7  }
0xab: {  	[tilespmem:v14+s18+$0x0] =	vst.idx.add.f32.msk $0xffff, v3;
	v11 =	vadd.s32 v11, v16;
	v9 =	vshll.u32 v9, $0x7;
	v8 =	vor.u32 v2, v8  }
0xac: {  	v11 =	vshll.u32 v11, $0x7;
	v9 =	vor.u32 v2, v9;
	[tilespmem:v10+s18+$0x0] =	vst.idx.add.f32.msk $0xffff, v3  }
0xad: {  	v10 =	vor.u32 v2, v11;
	[tilespmem:v12+s18+$0x0] =	vst.idx.add.f32.msk $0xffff, v3  }
0xae: {  	[tilespmem:v17+s18+$0x0] =	vst.idx.add.f32.msk $0xffff, v3  }
0xaf: {  	p0 =	seq.s32 s21, $0x7;
	[tilespmem:v7+s18+$0x0] =	vst.idx.add.f32.msk $0xffff, v3  }
0xb0: {  	s22 =	sadd.s32 @!p0 s22, s9;
	[tilespmem:v8+s18+$0x0] =	vst.idx.add.f32.msk $0xffff, v3  }
0xb1: {  	s22 =	sshrl.u32 @!p0 s22, $0x3;
	[tilespmem:v9+s18+$0x0] =	vst.idx.add.f32.msk $0xffff, v3  }
0xb2: {  	s23 =	simm.s32 @!p0 $0x0;
	s22 =	sadd.s32 @!p0 s1, s22;
	[tilespmem:v10+s18+$0x0] =	vst.idx.add.f32.msk $0xffff, v3  }
0xb3: {  	[tilespmem:s23], [sflag:$0x1] =	stream.linear.gather @!p0 [hbm4b:s22+s23], $0x8000, $0x38;
	[tilespmem:$0x10B00] =	vst v63  }
0xb4: {  	_ =	swait.ge [sflag:s19], $0x8000  }
0xb5: {  	[sflag:s19] =	ssyncset.done $0x0  }
0xb6: {  	s30 =	simm.s32 $0x8040;
	[sflag:s19] =	ssyncadd.s32 $0xFFFF8000  }
0xb7: {  	v7 =	vld [tilespmem:s30+$0x30]  }
0xb8: {  	v8 =	vld [tilespmem:s30+$0xFFFFFFD0]  }
0xb9: {  	v10 =	vld [tilespmem:s30+$0xFFFFFFE0]  }
0xba: {  	v17 =	vld [tilespmem:s30+$0xFFFFFFF0]  }
0xbb: {  	v9 =	vld [tilespmem:s30+$0xFFFFFFC0]  }
0xbc: {  	v16 =	vld [tilespmem:s30+$0x0]  }
0xbd: {  	v14 =	vld [tilespmem:s30+$0x20];
	_ =	sdelay $0x1  }
0xbe: {  	v15 =	vld [tilespmem:s30+$0x10];
	v11 =	vsub.f32 v7, v4  }
0xbf: {  	v12 =	vsub.f32 v8, v4;
	v13 =	vsub.f32 v10, v4  }
0xc0: {  	v18 =	vsub.f32 v17, v4;
	v19 =	vsub.f32 v9, v4;
	v11 =	vmul.f32 v11, v5  }
0xc1: {  	v20 =	vsub.f32 v16, v4;
	v22 =	vsub.f32 v14, v4  }
0xc2: {  	v12 =	vmul.f32 v12, v5;
	v13 =	vmul.f32 v13, v5;
	v11 =	vadd.f32 v11, v6  }
0xc3: {  	v21 =	vsub.f32 v15, v4;
	v19 =	vmul.f32 v19, v5;
	v18 =	vmul.f32 v18, v5  }
0xc4: {  	v22 =	vmul.f32 v22, v5;
	v12 =	vadd.f32 v12, v6;
	v11 =	vtrunc.f32 v11  }
0xc5: {  	v20 =	vmul.f32 v20, v5;
	v19 =	vadd.f32 v19, v6;
	v11 =	vcvt.f32.s32 v11  }
0xc6: {  	v21 =	vmul.f32 v21, v5;
	v22 =	vadd.f32 v22, v6;
	v12 =	vtrunc.f32 v12  }
0xc7: {  	v13 =	vadd.f32 v13, v6;
	v19 =	vtrunc.f32 v19;
	v12 =	vcvt.f32.s32 v12  }
0xc8: {  	v18 =	vadd.f32 v18, v6;
	v22 =	vtrunc.f32 v22;
	v19 =	vcvt.f32.s32 v19  }
0xc9: {  	v20 =	vadd.f32 v20, v6;
	v13 =	vtrunc.f32 v13;
	v22 =	vcvt.f32.s32 v22  }
0xca: {  	v18 =	vtrunc.f32 v18;
	v13 =	vcvt.f32.s32 v13  }
0xcb: {  	v21 =	vadd.f32 v21, v6;
	v20 =	vtrunc.f32 v20;
	v18 =	vcvt.f32.s32 v18;
	v23 =	vld.idx.msk [tilespmem:v11+s15+$0x0], $0xffff  }
0xcc: {  	v20 =	vcvt.f32.s32 v20;
	v24 =	vld.idx.msk [tilespmem:v11+s14+$0x0], $0xffff  }
0xcd: {  	v21 =	vtrunc.f32 v21;
	v25 =	vld.idx.msk [tilespmem:v12+s15+$0x0], $0xffff  }
0xce: {  	v21 =	vcvt.f32.s32 v21;
	v26 =	vld.idx.msk [tilespmem:v19+s15+$0x0], $0xffff  }
0xcf: {  	v28 =	vld.idx.msk [tilespmem:v22+s15+$0x0], $0xffff  }
0xd0: {  	vm0 =	vge.f32 v7, v23;
	v23 =	vld.idx.msk [tilespmem:v13+s15+$0x0], $0xffff  }
0xd1: {  	v27 =	vsel vm0, $0x1, v1;
	vm0 =	vlt.f32 v7, v24;
	v7 =	vld.idx.msk [tilespmem:v18+s15+$0x0], $0xffff  }
0xd2: {  	v11 =	vadd.s32 v27, v11;
	v24 =	vsel vm0, $0xFFFFFFFF, v1;
	v27 =	vld.idx.msk [tilespmem:v20+s15+$0x0], $0xffff  }
0xd3: {  	v30 =	vld.idx.msk [tilespmem:v12+s14+$0x0], $0xffff;
	v11 =	vadd.s32 v24, v11  }
0xd4: {  	vm1 =	vge.f32 v9, v26;
	vm0 =	vge.f32 v8, v25;
	v24 =	vld.idx.msk [tilespmem:v21+s15+$0x0], $0xffff;
	v11 =	vshll.u32 v11, $0x7  }
0xd5: {  	v26 =	vsel vm1, $0x1, v1;
	v25 =	vld.idx.msk [tilespmem:v19+s14+$0x0], $0xffff;
	v29 =	vor.u32 v2, v11;
	v11 =	vsel vm0, $0x1, v1  }
0xd6: {  	s31 =	simm.s32 $0x80C0;
	v19 =	vadd.s32 v26, v19;
	v26 =	vld.idx.msk [tilespmem:v13+s14+$0x0], $0xffff;
	vm0 =	vge.f32 v10, v23;
	v23 =	vadd.s32 v11, v12  }
0xd7: {  	v11 =	vsel vm0, $0x1, v1;
	vm0 =	vge.f32 v17, v7;
	vm1 =	vge.f32 v16, v27;
	v27 =	vld [tilespmem:s31+$0x30]  }
0xd8: {  	v31 =	vadd.s32 v11, v13;
	v7 =	vsel vm0, $0x1, v1;
	v11 =	vld [tilespmem:s31+$0xFFFFFFD0]  }
0xd9: {  	v12 =	vsel vm1, $0x1, v1;
	vm0 =	vge.f32 v15, v24;
	v24 =	vadd.s32 v7, v18;
	v18 =	vld.idx.msk [tilespmem:v18+s14+$0x0], $0xffff  }
0xda: {  	v55 =	vadd.s32 v12, v20;
	v12 =	vld [tilespmem:s31+$0xFFFFFFE0]  }
0xdb: {  	v7 =	vsel vm0, $0x1, v1;
	v20 =	vld.idx.msk [tilespmem:v20+s14+$0x0], $0xffff  }
0xdc: {  	vm1 =	vlt.f32 v9, v25;
	vm0 =	vge.f32 v14, v28;
	v25 =	vadd.s32 v7, v21;
	v7 =	vld [tilespmem:s31+$0xFFFFFFF0]  }
0xdd: {  	v13 =	vsel vm1, $0xFFFFFFFF, v1;
	v9 =	vsel vm0, $0x1, v1;
	vm0 =	vlt.f32 v8, v30;
	v8 =	vld [tilespmem:s31+$0x0]  }
0xde: {  	v13 =	vadd.s32 v13, v19;
	v21 =	vld.idx.msk [tilespmem:v21+s14+$0x0], $0xffff;
	v28 =	vadd.s32 v9, v22;
	v19 =	vsel vm0, $0xFFFFFFFF, v1  }
0xdf: {  	v9 =	vld [tilespmem:s31+$0x10];
	vm0 =	vlt.f32 v10, v26;
	v56 =	vshll.u32 v13, $0x7;
	v26 =	vsub.f32 v27, v4  }
0xe0: {  	v10 =	vld [tilespmem:s31+$0x20];
	v30 =	vsub.f32 v11, v4;
	v19 =	vadd.s32 v19, v23;
	v23 =	vsel vm0, $0xFFFFFFFF, v1  }
0xe1: {  	v13 =	vld [tilespmem:s31+$0xFFFFFFC0];
	v23 =	vadd.s32 v23, v31;
	vm0 =	vlt.f32 v17, v18;
	v59 =	vshll.u32 v19, $0x7  }
0xe2: {  	v22 =	vld.idx.msk [tilespmem:v22+s14+$0x0], $0xffff;
	v57 =	vsub.f32 v12, v4;
	v26 =	vmul.f32 v26, v5;
	v30 =	vmul.f32 v30, v5  }
0xe3: {  	v38 =	vshll.u32 v23, $0x7;
	vm1 =	vlt.f32 v16, v20;
	v31 =	vsub.f32 v7, v4  }
0xe4: {  	v35 =	vsub.f32 v8, v4;
	vm2 =	vlt.f32 v15, v21;
	v26 =	vadd.f32 v26, v6  }
0xe5: {  	v34 =	vmul.f32 v57, v5;
	v30 =	vadd.f32 v30, v6;
	v36 =	vsub.f32 v9, v4  }
0xe6: {  	v37 =	vsub.f32 v10, v4;
	v17 =	vsub.f32 v13, v4;
	v26 =	vtrunc.f32 v26  }
0xe7: {  	vm3 =	vlt.f32 v14, v22;
	v14 =	vsel vm0, $0xFFFFFFFF, v1;
	v26 =	vcvt.f32.s32 v26  }
0xe8: {  	v21 =	vsel vm2, $0xFFFFFFFF, v1;
	v31 =	vmul.f32 v31, v5;
	v35 =	vmul.f32 v35, v5  }
0xe9: {  	v22 =	vsel vm3, $0xFFFFFFFF, v1;
	v14 =	vadd.s32 v14, v24;
	v17 =	vmul.f32 v17, v5  }
0xea: {  	v18 =	vmul.f32 v36, v5;
	v34 =	vadd.f32 v34, v6;
	v58 =	vmul.f32 v37, v5  }
0xeb: {  	v30 =	vtrunc.f32 v30;
	v31 =	vadd.f32 v31, v6;
	v17 =	vadd.f32 v17, v6  }
0xec: {  	v35 =	vadd.f32 v35, v6;
	v30 =	vcvt.f32.s32 v30;
	v34 =	vtrunc.f32 v34  }
0xed: {  	v18 =	vadd.f32 v18, v6;
	v31 =	vtrunc.f32 v31;
	v17 =	vtrunc.f32 v17;
	v23 =	vld.idx.msk [tilespmem:v26+s15+$0x0], $0xffff  }
0xee: {  	v36 =	vadd.f32 v58, v6;
	v35 =	vtrunc.f32 v35;
	v39 =	vcvt.f32.s32 v17;
	v15 =	vld.idx.msk [tilespmem:v26+s14+$0x0], $0xffff  }
0xef: {  	v21 =	vadd.s32 v21, v25;
	v34 =	vcvt.f32.s32 v34;
	v18 =	vtrunc.f32 v18  }
0xf0: {  	v24 =	vor.u32 v2, v56;
	v36 =	vtrunc.f32 v36;
	v20 =	vcvt.f32.s32 v31  }
0xf1: {  	[tilespmem:v29+s18+$0x0] =	vst.idx.add.f32.msk $0xffff, v3;
	v22 =	vadd.s32 v22, v28;
	v19 =	vcvt.f32.s32 v35;
	v18 =	vcvt.f32.s32 v18  }
0xf2: {  	v16 =	vcvt.f32.s32 v36;
	v17 =	vsel vm1, $0xFFFFFFFF, v1;
	v25 =	vld.idx.msk [tilespmem:v30+s15+$0x0], $0xffff;
	vm0 =	vge.f32 v27, v23  }
0xf3: {  	v17 =	vadd.s32 v17, v55;
	v32 =	vld.idx.msk [tilespmem:v30+s14+$0x0], $0xffff;
	v23 =	vsel vm0, $0x1, v1;
	vm0 =	vlt.f32 v27, v15  }
0xf4: {  	v28 =	vld.idx.msk [tilespmem:v39+s15+$0x0], $0xffff;
	v15 =	vshll.u32 v17, $0x7;
	v17 =	vadd.s32 v23, v26;
	v23 =	vsel vm0, $0xFFFFFFFF, v1  }
0xf5: {  	v14 =	vshll.u32 v14, $0x7;
	v61 =	vshll.u32 v22, $0x7;
	v27 =	vld.idx.msk [tilespmem:v34+s15+$0x0], $0xffff;
	v17 =	vadd.s32 v23, v17  }
0xf6: {  	v22 =	vor.u32 v2, v38;
	v60 =	vld.idx.msk [tilespmem:v20+s15+$0x0], $0xffff;
	v26 =	vshll.u32 v21, $0x7;
	v17 =	vshll.u32 v17, $0x7  }
0xf7: {  	v62 =	vld.idx.msk [tilespmem:v19+s15+$0x0], $0xffff;
	v21 =	vor.u32 v2, v14;
	vm0 =	vge.f32 v11, v25;
	v63 =	vor.u32 v2, v17  }
0xf8: {  	v31 =	vld.idx.msk [tilespmem:v18+s15+$0x0], $0xffff;
	v14 =	vor.u32 v2, v61;
	v23 =	vor.u32 v2, v59;
	v25 =	vsel vm0, $0x1, v1  }
0xf9: {  	v29 =	vld.idx.msk [tilespmem:v16+s15+$0x0], $0xffff;
	vm1 =	vge.f32 v13, v28;
	v17 =	vor.u32 v2, v15;
	v15 =	vor.u32 v2, v26  }
0xfa: {  	v33 =	vld.idx.msk [tilespmem:v39+s14+$0x0], $0xffff;
	v28 =	vsel vm1, $0x1, v1;
	v26 =	vadd.s32 v25, v30;
	vm0 =	vge.f32 v12, v27  }
0xfb: {  	v30 =	vld.idx.msk [tilespmem:v34+s14+$0x0], $0xffff;
	v28 =	vadd.s32 v28, v39;
	v25 =	vsel vm0, $0x1, v1;
	vm0 =	vge.f32 v7, v60  }
0xfc: {  	s22 =	simm.s32 $0x8;
	s23 =	simm.s32 $0x8140;
	v27 =	vadd.s32 v25, v34;
	v34 =	vsel vm0, $0x1, v1;
	vm0 =	vge.f32 v8, v62;
	[tilespmem:v63+s18+$0x0] =	vst.idx.add.f32.msk $0xffff, v3  }
.LBB2_5:
0xfd: {  	v25 =	vld [tilespmem:s23+$0x30];
	s22 =	sadd.s32 $0x8, s22;
	v34 =	vadd.s32 v34, v20;
	v35 =	vsel vm0, $0x1, v1;
	vm0 =	vge.f32 v9, v31  }
0xfe: {  	v31 =	vld [tilespmem:s23+$0xFFFFFFD0];
	p0 =	slt.u32 s22, $0x7F8;
	v35 =	vadd.s32 v35, v19;
	v36 =	vsel vm0, $0x1, v1;
	vm0 =	vge.f32 v10, v29  }
0xff: {  	vm1 =	vlt.f32 v13, v33;
	v29 =	vld [tilespmem:s23+$0xFFFFFFE0];
	v33 =	vadd.s32 v36, v18;
	v13 =	vsel vm0, $0x1, v1  }
0x100: {  	v37 =	vsel vm1, $0xFFFFFFFF, v1;
	vm0 =	vlt.f32 v11, v32;
	v36 =	vld [tilespmem:s23+$0xFFFFFFF0];
	v32 =	vadd.s32 v13, v16  }
0x101: {  	v40 =	vadd.s32 v37, v28;
	v13 =	vsel vm0, $0xFFFFFFFF, v1;
	vm0 =	vlt.f32 v12, v30;
	v38 =	vld [tilespmem:s23+$0x0]  }
0x102: {  	v26 =	vadd.s32 v13, v26;
	v13 =	vsel vm0, $0xFFFFFFFF, v1;
	v28 =	vld [tilespmem:s23+$0x10];
	v41 =	vsub.f32 v25, v4  }
0x103: {  	v39 =	vshll.u32 v40, $0x7;
	v27 =	vadd.s32 v13, v27;
	v30 =	vsub.f32 v31, v4;
	v37 =	vld [tilespmem:s23+$0x20];
	v11 =	vmovc v31  }
0x104: {  	v26 =	vshll.u32 v26, $0x7;
	v13 =	vld [tilespmem:s23+$0xFFFFFFC0];
	v31 =	vsub.f32 v29, v4;
	v40 =	vmul.f32 v41, v5;
	v12 =	vmovc v29  }
0x105: {  	v27 =	vshll.u32 v27, $0x7;
	v29 =	vmul.f32 v30, v5;
	v30 =	vsub.f32 v36, v4;
	v20 =	vld.idx.msk [tilespmem:v20+s14+$0x0], $0xffff  }
0x106: {  	v31 =	vmul.f32 v31, v5;
	v41 =	vsub.f32 v38, v4;
	v40 =	vadd.f32 v40, v6;
	v19 =	vld.idx.msk [tilespmem:v19+s14+$0x0], $0xffff  }
0x107: {  	v29 =	vadd.f32 v29, v6;
	v30 =	vmul.f32 v30, v5;
	v42 =	vsub.f32 v28, v4;
	v18 =	vld.idx.msk [tilespmem:v18+s14+$0x0], $0xffff  }
0x108: {  	v41 =	vmul.f32 v41, v5;
	v43 =	vsub.f32 v37, v4;
	v40 =	vtrunc.f32 v40;
	v16 =	vld.idx.msk [tilespmem:v16+s14+$0x0], $0xffff  }
0x109: {  	v44 =	vsub.f32 v13, v4;
	v42 =	vmul.f32 v42, v5;
	v40 =	vcvt.f32.s32 v40;
	[tilespmem:v24+s18+$0x0] =	vst.idx.add.f32.msk $0xffff, v3  }
0x10a: {  	v24 =	vadd.f32 v31, v6;
	v30 =	vadd.f32 v30, v6;
	v31 =	vmul.f32 v43, v5  }
0x10b: {  	v41 =	vadd.f32 v41, v6;
	v43 =	vmul.f32 v44, v5;
	v42 =	vadd.f32 v42, v6  }
0x10c: {  	v29 =	vtrunc.f32 v29;
	v24 =	vtrunc.f32 v24;
	v31 =	vadd.f32 v31, v6;
	[tilespmem:v23+s18+$0x0] =	vst.idx.add.f32.msk $0xffff, v3  }
0x10d: {  	v30 =	vtrunc.f32 v30;
	v41 =	vtrunc.f32 v41;
	v23 =	vadd.f32 v43, v6;
	[tilespmem:v22+s18+$0x0] =	vst.idx.add.f32.msk $0xffff, v3  }
0x10e: {  	vm0 =	vlt.f32 v7, v20;
	v7 =	vmovc v36;
	v22 =	vtrunc.f32 v42;
	v31 =	vtrunc.f32 v31;
	[tilespmem:v21+s18+$0x0] =	vst.idx.add.f32.msk $0xffff, v3  }
0x10f: {  	v36 =	vcvt.f32.s32 v29;
	vm1 =	vlt.f32 v8, v19;
	v8 =	vmovc v38;
	v20 =	vtrunc.f32 v23;
	v21 =	vld.idx.msk [tilespmem:v40+s15+$0x0], $0xffff  }
0x110: {  	vm2 =	vlt.f32 v9, v18;
	v9 =	vmovc v28;
	v42 =	vcvt.f32.s32 v24;
	v38 =	vcvt.f32.s32 v20;
	v23 =	vld.idx.msk [tilespmem:v40+s14+$0x0], $0xffff  }
0x111: {  	v19 =	vcvt.f32.s32 v41;
	vm3 =	vlt.f32 v10, v16;
	v10 =	vmovc v37;
	v20 =	vcvt.f32.s32 v30;
	[tilespmem:v17+s18+$0x0] =	vst.idx.add.f32.msk $0xffff, v3  }
0x112: {  	v18 =	vcvt.f32.s32 v22;
	v16 =	vcvt.f32.s32 v31;
	v17 =	vsel vm0, $0xFFFFFFFF, v1;
	[tilespmem:v15+s18+$0x0] =	vst.idx.add.f32.msk $0xffff, v3  }
0x113: {  	v22 =	vsel vm2, $0xFFFFFFFF, v1;
	v24 =	vsel vm3, $0xFFFFFFFF, v1;
	v15 =	vsel vm1, $0xFFFFFFFF, v1;
	[tilespmem:v14+s18+$0x0] =	vst.idx.add.f32.msk $0xffff, v3  }
0x114: {  	v14 =	vadd.s32 v17, v34;
	v15 =	vadd.s32 v15, v35;
	v17 =	vadd.s32 v22, v33  }
0x115: {  	vm0 =	vge.f32 v25, v21;
	v14 =	vshll.u32 v14, $0x7;
	v21 =	vadd.s32 v24, v32;
	v28 =	vld.idx.msk [tilespmem:v36+s15+$0x0], $0xffff  }
0x116: {  	v15 =	vshll.u32 v15, $0x7;
	v22 =	vsel vm0, $0x1, v1;
	vm0 =	vlt.f32 v25, v23;
	v30 =	vld.idx.msk [tilespmem:v38+s15+$0x0], $0xffff  }
0x117: {  	v32 =	vshll.u32 v17, $0x7;
	v22 =	vadd.s32 v22, v40;
	v23 =	vsel vm0, $0xFFFFFFFF, v1;
	v25 =	vld.idx.msk [tilespmem:v42+s15+$0x0], $0xffff  }
0x118: {  	v24 =	vor.u32 v2, v39;
	v33 =	vshll.u32 v21, $0x7;
	v17 =	vadd.s32 v23, v22;
	v34 =	vld.idx.msk [tilespmem:v20+s15+$0x0], $0xffff  }
0x119: {  	v23 =	vor.u32 v2, v26;
	v22 =	vor.u32 v2, v27;
	v17 =	vshll.u32 v17, $0x7;
	v35 =	vld.idx.msk [tilespmem:v19+s15+$0x0], $0xffff  }
0x11a: {  	v21 =	vor.u32 v2, v14;
	v37 =	vor.u32 v2, v17;
	v17 =	vor.u32 v2, v15;
	v31 =	vld.idx.msk [tilespmem:v18+s15+$0x0], $0xffff  }
.Ltmp1:
0x11b: {  	v14 =	vor.u32 v2, v33;
	v15 =	vor.u32 v2, v32;
	vm0 =	vge.f32 v11, v28;
	v29 =	vld.idx.msk [tilespmem:v16+s15+$0x0], $0xffff;
	(pc) =	sbr.rel @p0 .LBB2_5-.Ltmp1, $4  }
0x11c: {  	vm1 =	vge.f32 v13, v30;
	v26 =	vsel vm0, $0x1, v1;
	v33 =	vld.idx.msk [tilespmem:v38+s14+$0x0], $0xffff  }
0x11d: {  	v27 =	vsel vm1, $0x1, v1;
	v26 =	vadd.s32 v26, v36;
	vm0 =	vge.f32 v12, v25;
	v32 =	vld.idx.msk [tilespmem:v36+s14+$0x0], $0xffff  }
0x11e: {  	v28 =	vadd.s32 v27, v38;
	v25 =	vsel vm0, $0x1, v1;
	vm0 =	vge.f32 v7, v34;
	v30 =	vld.idx.msk [tilespmem:v42+s14+$0x0], $0xffff  }
0x11f: {  	s23 =	sadd.s32 $0x80, s23;
	v27 =	vadd.s32 v25, v42;
	v34 =	vsel vm0, $0x1, v1;
	vm0 =	vge.f32 v8, v35;
	[tilespmem:v37+s18+$0x0] =	vst.idx.add.f32.msk $0xffff, v3  }
0x120: {  	_ =	sdelay $0x3  }
0x121: {  	v25 =	vsel vm0, $0x1, v1;
	vm10 =	vge.f32 v9, v31;
	v49 =	vld.idx.msk [tilespmem:v20+s14+$0x0], $0xffff  }
0x122: {  	v50 =	vadd.s32 v34, v20;
	v52 =	vld.idx.msk [tilespmem:v19+s14+$0x0], $0xffff;
	vm11 =	vge.f32 v10, v29;
	v25 =	vadd.s32 v25, v19  }
0x123: {  	v54 =	vld.idx.msk [tilespmem:v18+s14+$0x0], $0xffff;
	v51 =	vsel vm10, $0x1, v1;
	vm1 =	vlt.f32 v13, v33;
	v29 =	vsel vm11, $0x1, v1  }
0x124: {  	v55 =	vld.idx.msk [tilespmem:v16+s14+$0x0], $0xffff;
	v53 =	vadd.s32 v51, v18;
	v33 =	vsel vm1, $0xFFFFFFFF, v1;
	vm12 =	vlt.f32 v11, v32  }
0x125: {  	v56 =	vadd.s32 v29, v16;
	v57 =	vsel vm12, $0xFFFFFFFF, v1;
	vm13 =	vlt.f32 v12, v30  }
0x126: {  	v58 =	vadd.s32 v33, v28;
	v26 =	vadd.s32 v57, v26;
	v59 =	vsel vm13, $0xFFFFFFFF, v1  }
0x127: {  	[tilespmem:v24+s18+$0x0] =	vst.idx.add.f32.msk $0xffff, v3;
	v12 =	vshll.u32 v58, $0x7;
	v27 =	vadd.s32 v59, v27;
	v26 =	vshll.u32 v26, $0x7  }
0x128: {  	vm14 =	vlt.f32 v7, v49;
	vm15 =	vlt.f32 v8, v52;
	vm2 =	vlt.f32 v9, v54  }
0x129: {  	[tilespmem:v23+s18+$0x0] =	vst.idx.add.f32.msk $0xffff, v3;
	vm3 =	vlt.f32 v10, v55;
	v60 =	vor.u32 v2, v12;
	v27 =	vshll.u32 v27, $0x7  }
0x12a: {  	[tilespmem:v22+s18+$0x0] =	vst.idx.add.f32.msk $0xffff, v3;
	v7 =	vsel vm14, $0xFFFFFFFF, v1;
	v8 =	vsel vm15, $0xFFFFFFFF, v1;
	v9 =	vsel vm2, $0xFFFFFFFF, v1  }
0x12b: {  	[tilespmem:v21+s18+$0x0] =	vst.idx.add.f32.msk $0xffff, v3;
	v11 =	vsel vm3, $0xFFFFFFFF, v1;
	v61 =	vor.u32 v2, v26;
	v7 =	vadd.s32 v7, v50  }
0x12c: {  	[tilespmem:v17+s18+$0x0] =	vst.idx.add.f32.msk $0xffff, v3;
	v8 =	vadd.s32 v8, v25;
	v62 =	vor.u32 v2, v27;
	v7 =	vshll.u32 v7, $0x7  }
0x12d: {  	[tilespmem:v15+s18+$0x0] =	vst.idx.add.f32.msk $0xffff, v3;
	v9 =	vadd.s32 v9, v53;
	v8 =	vshll.u32 v8, $0x7;
	v7 =	vor.u32 v2, v7  }
0x12e: {  	[tilespmem:v14+s18+$0x0] =	vst.idx.add.f32.msk $0xffff, v3;
	v11 =	vadd.s32 v11, v56;
	v9 =	vshll.u32 v9, $0x7;
	v8 =	vor.u32 v2, v8  }
0x12f: {  	s21 =	sadd.s32 $0x1, s21;
	v11 =	vshll.u32 v11, $0x7;
	v9 =	vor.u32 v2, v9;
	[tilespmem:v60+s18+$0x0] =	vst.idx.add.f32.msk $0xffff, v3  }
0x130: {  	p0 =	sne.s32 s21, $0x8;
	v63 =	vor.u32 v2, v11;
	[tilespmem:v61+s18+$0x0] =	vst.idx.add.f32.msk $0xffff, v3  }
.Ltmp2:
0x131: {  	[tilespmem:v62+s18+$0x0] =	vst.idx.add.f32.msk $0xffff, v3;
	(pc) =	sbr.rel @p0 .LBB2_2-.Ltmp2, $4  }
0x132: {  	[tilespmem:v7+s18+$0x0] =	vst.idx.add.f32.msk $0xffff, v3  }
0x133: {  	[tilespmem:v8+s18+$0x0] =	vst.idx.add.f32.msk $0xffff, v3  }
0x134: {  	[tilespmem:v9+s18+$0x0] =	vst.idx.add.f32.msk $0xffff, v3  }
0x135: {  	[tilespmem:v63+s18+$0x0] =	vst.idx.add.f32.msk $0xffff, v3  }
0x136: {  	s20 =	sadd.s32 $0x1, s20  }
0x137: {  	p0 =	sne.s32 s20, s11  }
.Ltmp3:
0x138: {  	_ = 	snop;
	(pc) =	sbr.rel @p0 .LBB2_1-.Ltmp3, $4  }
0x139: {  	[hbm4b:s10+s3] =	stream.linear.scatter [tilespmem:s18], [sflag:$0x3], $0x800, $0x38;
	[tilespmem:$0x10B00] =	vst v63  }
0x13a: {  	_ =	swait.ge [sflag:s13], $0x800  }
0x13b: {  	[sflag:s13] =	ssyncset.done $0x0  }
0x13c: {  	[sflag:s13] =	ssyncadd.s32 $0xFFFFF800  }
0x13d: {  	_ =	sfence.sel $0x180000  }
0x13e: {  	[bflag:$0x0] =	sbarrier.arrive $0xFFFF  }
0x13f: {  	p0 =	sne.s32 s2, $0x0;
	_ =	strace $0x9000004A  }
0x140: {  	s0 =	sadd.s32 @!p0 $0x100000, s0;
	[bflag:$0x2] =	sbarrier.arrive $0xFFFF  }
0x141: {  	[sflag:s0] =	ssyncadd.tile.s32 @!p0 $0x1;
	_ =	shalt  }
.Lfunc_end2:
_tile_overlayer_lowered:
.L_overlay_start_2:
0x142: {  	(tag) =	ssettag $0x2  }
0x143: {  	s0 =	rddreg [dreg:$0x0];
	s2 =	stileid.u32  }
0x144: {  	s1 =	rddreg [dreg:$0x1];
	p0 =	sne.s32 s2, $0x0  }
0x145: {  	s3 =	rddreg [dreg:$0x2];
	[bflag:$0x3] =	sbarrier.arrive $0xFFFF;
	s2 =	simm.s32 @!p0 $0x1C03  }
0x146: {  	[timem:s3], [sflag:s2] =	dma.local @!p0 [hbm:s0], s1  }
0x147: {  	s0 =	simm.s32 @!p0 $0x3  }
0x148: {  	_ =	swait.ge @!p0 [sflag:s0], s1  }
0x149: {  	s1 =	ssub.s32 @!p0 $0x0, s1;
	[sflag:s0] =	ssyncset.done @!p0 $0x0  }
0x14a: {  	[sflag:s0] =	ssyncadd.s32 @!p0 s1  }
0x14b: {  	[bflag:$0x3] =	sbarrier.arrive $0xFFFF  }
0x14c: {  	_ =	shalt  }

</sc_bundles>
